<compile_context>
chip_gen: v7x
topology: tpu7x:2x2x1
jax: 0.10.2.dev20260603
libtpu: 0.0.44.dev20260713+nightly
codegen_flags: <defaults>
</compile_context>

<pallas_src>
import functools

import jax
import jax.numpy as jnp
from jax import lax
from jax.experimental import pallas as pl
from jax.experimental.pallas import tpu as pltpu
from jax.experimental.pallas import tpu_sc as plsc

N = 10000
E = 320000
F1 = 128
F2 = 64
NOUT = 16

NC = 2
NS = 16
NW = NC * NS
CH = 128
EP = 327680
RPW = EP // (NW * CH)
CHA = 64
RPWA = EP // (NW * CHA)
IBRA = 32
DEPTH = 4
EC = EP // CH
NP = 10240
STR = NP // NS
PAD_DST = 10016

BN = 1000
NB = N // BN
FCB = BN * F2


def _sc_mesh():
    return plsc.VectorSubcoreMesh(
        core_axis_name="c", subcore_axis_name="s",
        num_cores=NC, num_subcores=NS)


def _deg_partials(dst2, znp, ones):

    @functools.partial(
        pl.kernel,
        out_type=jax.ShapeDtypeStruct((NC, NP), jnp.float32),
        mesh=_sc_mesh(),
        scratch_types=[
            pltpu.VMEM((RPW, CH), jnp.int32),
            pltpu.VMEM((CH,), jnp.float32),
            pltpu.VMEM_SHARED((NP,), jnp.float32),
        ],
    )
    def k(dst_hbm, z_hbm, ones_hbm, out_hbm, idx_v, ones_v, acc_sh):
        cid = lax.axis_index("c")
        sid = lax.axis_index("s")
        wid = sid * NC + cid
        pltpu.sync_copy(dst_hbm.at[pl.ds(wid * RPW, RPW)], idx_v)
        pltpu.sync_copy(ones_hbm, ones_v)
        pltpu.sync_copy(z_hbm.at[pl.ds(sid * STR, STR)],
                        acc_sh.at[pl.ds(sid * STR, STR)])
        plsc.subcore_barrier()

        def body(j, carry):
            pltpu.sync_copy(ones_v, acc_sh.at[idx_v.at[j]], add=True)
            return carry

        lax.fori_loop(0, RPW, body, 0)
        plsc.subcore_barrier()
        pltpu.sync_copy(acc_sh.at[pl.ds(sid * STR, STR)],
                        out_hbm.at[cid, pl.ds(sid * STR, STR)])

    return k(dst2, znp, ones)


def _agg_partials(src2, dst2, y, znpf, f):

    @functools.partial(
        pl.kernel,
        out_type=jax.ShapeDtypeStruct((NC, NP, f), jnp.float32),
        mesh=_sc_mesh(),
        scratch_types=[
            pltpu.VMEM((IBRA, CHA), jnp.int32),
            pltpu.VMEM((IBRA, CHA), jnp.int32),
            pltpu.VMEM((DEPTH, CHA, f), jnp.float32),
            pltpu.VMEM_SHARED((NP, f), jnp.float32),
        ] + [pltpu.SemaphoreType.DMA] * DEPTH,
    )
    def k(src_hbm, dst_hbm, y_hbm, z_hbm, out_hbm,
          src_v, dst_v, rows, acc_sh, *sems):
        cid = lax.axis_index("c")
        sid = lax.axis_index("s")
        wid = sid * NC + cid
        pltpu.sync_copy(z_hbm.at[pl.ds(sid * STR, STR)],
                        acc_sh.at[pl.ds(sid * STR, STR)])
        plsc.subcore_barrier()

        def step(j, b):
            pltpu.make_async_copy(
                y_hbm.at[src_v.at[j]], rows.at[b], sems[b]).wait()
            pltpu.sync_copy(rows.at[b], acc_sh.at[dst_v.at[j]], add=True)

            @pl.when(j + DEPTH < IBRA)
            def _():
                pltpu.async_copy(
                    y_hbm.at[src_v.at[j + DEPTH]], rows.at[b], sems[b])

        def inner(i, carry):
            for b in range(DEPTH):
                step(DEPTH * i + b, b)
            return carry

        def block(ib, carry):
            base = wid * RPWA + ib * IBRA
            pltpu.sync_copy(src_hbm.at[pl.ds(base, IBRA)], src_v)
            pltpu.sync_copy(dst_hbm.at[pl.ds(base, IBRA)], dst_v)
            for b in range(DEPTH):
                pltpu.async_copy(y_hbm.at[src_v.at[b]], rows.at[b], sems[b])
            lax.fori_loop(0, IBRA // DEPTH, inner, 0)
            return carry

        lax.fori_loop(0, RPWA // IBRA, block, 0)
        plsc.subcore_barrier()
        pltpu.sync_copy(acc_sh.at[pl.ds(sid * STR, STR)],
                        out_hbm.at[cid, pl.ds(sid * STR, STR)])

    return k(src2, dst2, y, znpf)


def _layer1_dense(x, W1, degp3, b1r):

    def body(x_ref, w_ref, dp_ref, b_ref, y_ref, st_ref, dis_ref):
        xw = jnp.dot(x_ref[...], w_ref[...],
                     preferred_element_type=jnp.float32,
                     precision=lax.Precision.HIGHEST)
        deg = dp_ref[0] + dp_ref[1] + 1.0
        dis = lax.rsqrt(deg)
        y_ref[...] = xw * dis
        st_ref[...] = xw * (dis * dis) + b_ref[...]
        dis_ref[...] = dis

    return pl.pallas_call(
        body,
        grid=(NB,),
        in_specs=[
            pl.BlockSpec((BN, F1), lambda j: (j, 0)),
            pl.BlockSpec((F1, F1), lambda j: (0, 0)),
            pl.BlockSpec((NC, BN, 1), lambda j: (0, j, 0)),
            pl.BlockSpec((1, F1), lambda j: (0, 0)),
        ],
        out_specs=[
            pl.BlockSpec((BN, F1), lambda j: (j, 0)),
            pl.BlockSpec((BN, F1), lambda j: (j, 0)),
            pl.BlockSpec((BN, 1), lambda j: (j, 0)),
        ],
        out_shape=[
            jax.ShapeDtypeStruct((N, F1), jnp.float32),
            jax.ShapeDtypeStruct((N, F1), jnp.float32),
            jax.ShapeDtypeStruct((N, 1), jnp.float32),
        ],
    )(x, W1, degp3, b1r)


def _layer2_dense(aggp1, st1, dis, W2, b2r):

    def body(ap_ref, st_ref, dis_ref, w_ref, b_ref, y_ref, s2_ref):
        dis_b = dis_ref[...]
        h1 = jnp.tanh(dis_b * (ap_ref[0] + ap_ref[1]) + st_ref[...])
        xw = jnp.dot(h1, w_ref[...],
                     preferred_element_type=jnp.float32,
                     precision=lax.Precision.HIGHEST)
        y_ref[...] = jnp.concatenate(
            [xw * dis_b, jnp.zeros((BN, F1 - F2), jnp.float32)], axis=1)
        s2_ref[...] = xw * (dis_b * dis_b) + b_ref[...]

    return pl.pallas_call(
        body,
        grid=(NB,),
        in_specs=[
            pl.BlockSpec((NC, BN, F1), lambda j: (0, j, 0)),
            pl.BlockSpec((BN, F1), lambda j: (j, 0)),
            pl.BlockSpec((BN, 1), lambda j: (j, 0)),
            pl.BlockSpec((F1, F2), lambda j: (0, 0)),
            pl.BlockSpec((1, F2), lambda j: (0, 0)),
        ],
        out_specs=[
            pl.BlockSpec((BN, F1), lambda j: (j, 0)),
            pl.BlockSpec((BN, F2), lambda j: (j, 0)),
        ],
        out_shape=[
            jax.ShapeDtypeStruct((N, F1), jnp.float32),
            jax.ShapeDtypeStruct((N, F2), jnp.float32),
        ],
    )(aggp1, st1, dis, W2, b2r)


def _layer2_post(aggp2, st2, dis):

    def body(ap_ref, st_ref, dis_ref, h_ref):
        dis_b = dis_ref[...]
        agg = (ap_ref[0] + ap_ref[1])[:, :F2]
        h_ref[...] = jnp.tanh(dis_b * agg + st_ref[...])

    return pl.pallas_call(
        body,
        grid=(NB,),
        in_specs=[
            pl.BlockSpec((NC, BN, F1), lambda j: (0, j, 0)),
            pl.BlockSpec((BN, F2), lambda j: (j, 0)),
            pl.BlockSpec((BN, 1), lambda j: (j, 0)),
        ],
        out_specs=pl.BlockSpec((BN, F2), lambda j: (j, 0)),
        out_shape=jax.ShapeDtypeStruct((N, F2), jnp.float32),
    )(aggp2, st2, dis)


def _final_fc(h2f, Wfc, bfcr):

    def body(hf_ref, w_ref, b_ref, o_ref):
        j = pl.program_id(0)

        @pl.when(j == 0)
        def _():
            o_ref[...] = b_ref[...]

        o_ref[...] += jnp.sum(hf_ref[...] * w_ref[...], axis=1, keepdims=True)

    return pl.pallas_call(
        body,
        grid=(NB,),
        in_specs=[
            pl.BlockSpec((1, FCB), lambda j: (0, j)),
            pl.BlockSpec((NOUT, FCB), lambda j: (0, j)),
            pl.BlockSpec((NOUT, 1), lambda j: (0, 0)),
        ],
        out_specs=pl.BlockSpec((NOUT, 1), lambda j: (0, 0)),
        out_shape=jax.ShapeDtypeStruct((NOUT, 1), jnp.float32),
    )(h2f, Wfc, bfcr)


def kernel(x, edge_index, batch, W1, b1, W2, b2, Wfc, bfc):
    del batch
    f32 = jnp.float32

    per_w = E // NW
    pw_pad = RPW * CH - per_w
    src_r = edge_index[0].reshape(NW, per_w)
    dst_r = edge_index[1].reshape(NW, per_w)
    k = jnp.arange(NW * pw_pad, dtype=jnp.int32).reshape(NW, pw_pad)
    pad_src = N + (k % (NP - N))
    pad_dst_agg = (k * 1283) % N
    pad_dst_deg = PAD_DST + (k % 128)
    src2 = jnp.concatenate([src_r, pad_src], axis=1).reshape(EC * 2, CHA)
    dst2a = jnp.concatenate([dst_r, pad_dst_agg], axis=1).reshape(EC * 2, CHA)
    dst2d = jnp.concatenate([dst_r, pad_dst_deg], axis=1).reshape(EC, CH)

    ones = jnp.ones((CH,), f32)
    znp = jnp.zeros((NP,), f32)
    znp1 = jnp.zeros((NP, F1), f32)
    zrows1 = jnp.zeros((NP - N, F1), f32)

    degp = _deg_partials(dst2d, znp, ones)
    degp3 = degp.reshape(NC, NP, 1)

    y1, st1, dis = _layer1_dense(x, W1, degp3, b1.reshape(1, F1))
    aggp1 = _agg_partials(src2, dst2a, jnp.concatenate([y1, zrows1]),
                          znp1, F1)

    y2, st2 = _layer2_dense(aggp1, st1, dis, W2, b2.reshape(1, F2))
    aggp2 = _agg_partials(src2, dst2a, jnp.concatenate([y2, zrows1]),
                          znp1, F1)

    h2 = _layer2_post(aggp2, st2, dis)

    out = _final_fc(h2.reshape(1, N * F2), Wfc, bfc.reshape(NOUT, 1))
    return out.reshape(1, NOUT)

# --- scband reference (transcript-rebuilt; emitter-appended) ---
"""Pipeline reference for scband-gcn2-layer-concat-26560077758924 (READ-ONLY COPY).

The authoritative reference and input builder live on the scoring server;
editing this copy changes nothing except your own understanding.
"""

import jax, jax.numpy as jnp
import numpy as np

N, E, F_IN, H1, H2, OUT = 10000, 320000, 128, 128, 64, 16

def gcn_conv(x, src, dst, n, W, b):
    xw = x @ W
    deg = jnp.zeros((n,), dtype=xw.dtype).at[dst].add(1.0)
    dis = jnp.where(deg > 0, 1.0 / jnp.sqrt(deg), 0.0)
    norm = dis[src] * dis[dst]
    msg = xw[src] * norm[:, None]
    out = jnp.zeros((n, W.shape[1]), dtype=xw.dtype).at[dst].add(msg)
    return out + b

def setup_inputs(seed: int = 0) -> dict:
    key = jax.random.key(seed)
    ks = jax.random.split(key, 10)
    x = jax.random.normal(ks[0], (N, F_IN), dtype=jnp.float32)
    edge_index = jax.random.randint(ks[1], (2, E), 0, N, dtype=jnp.int32)
    batch = jnp.zeros((N,), dtype=jnp.int32)
    W1 = jax.random.normal(ks[2], (F_IN, H1), dtype=jnp.float32) * (1.0 / np.sqrt(F_IN))
    b1 = jax.random.normal(ks[3], (H1,), dtype=jnp.float32) * 0.01
    W2 = jax.random.normal(ks[4], (H1, H2), dtype=jnp.float32) * (1.0 / np.sqrt(H1))
    b2 = jax.random.normal(ks[5], (H2,), dtype=jnp.float32) * 0.01
    Wfc = jax.random.normal(ks[6], (OUT, H2 * N), dtype=jnp.float32) * (1.0 / np.sqrt(H2 * N))
    bfc = jax.random.normal(ks[7], (OUT,), dtype=jnp.float32) * 0.01
    return {"x": x, "edge_index": edge_index, "batch": batch, "W1": W1, "b1": b1, "W2": W2, "b2": b2, "Wfc": Wfc, "bfc": bfc}

def reference(x, edge_index, batch, W1, b1, W2, b2, Wfc, bfc):
    n = x.shape[0]
    loop = jnp.arange(n, dtype=edge_index.dtype)
    src = jnp.concatenate([edge_index[0], loop])
    dst = jnp.concatenate([edge_index[1], loop])
    h = jnp.tanh(gcn_conv(x, src, dst, n, W1, b1))
    # dropout_rate = 0 -> identity
    h = jnp.tanh(gcn_conv(h, src, dst, n, W2, b2))
    num_graphs = 1
    h_concat = jnp.concatenate([jnp.where((batch == i)[:, None], h, jnp.zeros_like(h)).reshape(1, -1) for i in range(num_graphs)], axis=0)
    out = h_concat @ Wfc.T + bfc
    return out

if __name__ == "__main__":
    import jax
    _d = setup_inputs()
    print(jax.jit(kernel)(*tuple(_d.values())))

</pallas_src>

<mosaic_0001>
#map = affine_map<(d0, d1) -> (0, 0)>
#map1 = affine_map<(d0, d1) -> (0, 0, 0)>
module attributes {stable_mosaic.version = 14 : i64} {
  func.func @k(%arg0: i32, %arg1: i32, %arg2: memref<5120x64xi32, #tpu.memory_space<hbm>>, %arg3: memref<5120x64xi32, #tpu.memory_space<hbm>>, %arg4: memref<10240x128xf32, #tpu.memory_space<hbm>>, %arg5: memref<10240x128xf32, #tpu.memory_space<hbm>>, %arg6: memref<2x10240x128xf32, #tpu.memory_space<hbm>>, %arg7: memref<32x64xi32, #tpu.memory_space<vmem>>, %arg8: memref<32x64xi32, #tpu.memory_space<vmem>>, %arg9: memref<4x64x128xf32, #tpu.memory_space<vmem>>, %arg10: memref<10240x128xf32, #tpu.memory_space<vmem_shared>>, %arg11: memref<!tpu.dma_semaphore, #tpu.memory_space<semaphore_mem>>, %arg12: memref<!tpu.dma_semaphore, #tpu.memory_space<semaphore_mem>>, %arg13: memref<!tpu.dma_semaphore, #tpu.memory_space<semaphore_mem>>, %arg14: memref<!tpu.dma_semaphore, #tpu.memory_space<semaphore_mem>>) attributes {dimension_semantics = [#tpu.dimension_semantics<core_parallel>, #tpu.dimension_semantics<subcore_parallel>], iteration_bounds = array<i64: 2, 16>, scalar_prefetch = 0 : i64, scratch_operands = 8 : i64, tpu.core_type = #tpu.core_type<sc_vector_subcore>, window_params = [{transform_indices = #map}, {transform_indices = #map}, {transform_indices = #map}, {transform_indices = #map}, {transform_indices = #map1}]} {
    %mul3A = arith.constant 2 : i32
    %mul3A_0 = arith.muli %arg1, %mul3A : i32
    %add3A = arith.addi %mul3A_0, %arg0 : i32
    %mul3A_1 = arith.constant 640 : i32
    %mul3A_2 = arith.muli %arg1, %mul3A_1 : i32
    %mul3A_3 = arith.constant 640 : i32
    %mul3A_4 = arith.muli %arg1, %mul3A_3 : i32
    "tpu.region"() ({
      %run_scoped3A = tpu.sem_alloc : memref<!tpu.dma_semaphore, #tpu.memory_space<semaphore_mem>>
      %dma_start3A = arith.constant 0 : i32
      %dma_start3A_15 = tpu.memref_slice %arg10[%mul3A_4, %dma_start3A] : memref<10240x128xf32, #tpu.memory_space<vmem_shared>> -> memref<640x128xf32, #tpu.memory_space<vmem_shared>>
      %dma_start3A_16 = arith.constant 0 : i32
      %dma_start3A_17 = tpu.memref_slice %arg5[%mul3A_2, %dma_start3A_16] : memref<10240x128xf32, #tpu.memory_space<hbm>> -> memref<640x128xf32, #tpu.memory_space<hbm>>
      tpu.enqueue_dma source(%dma_start3A_17 : memref<640x128xf32, #tpu.memory_space<hbm>>) target(%dma_start3A_15 : memref<640x128xf32, #tpu.memory_space<vmem_shared>>) target_semaphore(%run_scoped3A : memref<!tpu.dma_semaphore, #tpu.memory_space<semaphore_mem>>)
      %dma_wait3A = arith.constant 0 : i32
      %dma_wait3A_18 = tpu.memref_slice %arg10[%mul3A_4, %dma_wait3A] : memref<10240x128xf32, #tpu.memory_space<vmem_shared>> -> memref<640x128xf32, #tpu.memory_space<vmem_shared>>
      %dma_wait3A_19 = arith.constant 0 : i32
      %dma_wait3A_20 = tpu.memref_slice %arg5[%mul3A_2, %dma_wait3A_19] : memref<10240x128xf32, #tpu.memory_space<hbm>> -> memref<640x128xf32, #tpu.memory_space<hbm>>
      tpu.wait_dma2 semaphore(%run_scoped3A : memref<!tpu.dma_semaphore, #tpu.memory_space<semaphore_mem>>) src(%dma_wait3A_20 : memref<640x128xf32, #tpu.memory_space<hbm>>) dst(%dma_wait3A_18 : memref<640x128xf32, #tpu.memory_space<vmem_shared>>)
      tpu.yield
    }) : () -> ()
    %barrier3A = arith.constant 0 : index
    tpu.barrier barrier_id(%barrier3A)
    %scan3A = arith.constant 0 : i32
    %scan3A_5 = arith.constant 0 : i32
    %scan3A_6 = arith.constant 5 : i32
    %scan3A_7 = arith.addi %scan3A_5, %scan3A_6 : i32
    %scan3A_8 = arith.constant 1 : i32
    scf.for %scan3A_15 = %scan3A_5 to %scan3A_7 step %scan3A_8  : i32 {
      %mul3A_16 = arith.constant 160 : i32
      %mul3A_17 = arith.muli %add3A, %mul3A_16 : i32
      %mul3A_18 = arith.constant 32 : i32
      %mul3A_19 = arith.muli %scan3A_15, %mul3A_18 : i32
      %add3A_20 = arith.addi %mul3A_17, %mul3A_19 : i32
      "tpu.region"() ({
        %run_scoped3A = tpu.sem_alloc : memref<!tpu.dma_semaphore, #tpu.memory_space<semaphore_mem>>
        %dma_start3A_74 = arith.constant 0 : i32
        %dma_start3A_75 = tpu.memref_slice %arg2[%add3A_20, %dma_start3A_74] : memref<5120x64xi32, #tpu.memory_space<hbm>> -> memref<32x64xi32, #tpu.memory_space<hbm>>
        %dma_start3A_76 = arith.constant 0 : i32
        %dma_start3A_77 = tpu.memref_slice %arg2[%add3A_20, %dma_start3A_76] : memref<5120x64xi32, #tpu.memory_space<hbm>> -> memref<32x64xi32, #tpu.memory_space<hbm>>
        tpu.enqueue_dma source(%dma_start3A_77 : memref<32x64xi32, #tpu.memory_space<hbm>>) target(%arg7 : memref<32x64xi32, #tpu.memory_space<vmem>>) target_semaphore(%run_scoped3A : memref<!tpu.dma_semaphore, #tpu.memory_space<semaphore_mem>>)
        %dma_wait3A = arith.constant 0 : i32
        %dma_wait3A_78 = tpu.memref_slice %arg2[%add3A_20, %dma_wait3A] : memref<5120x64xi32, #tpu.memory_space<hbm>> -> memref<32x64xi32, #tpu.memory_space<hbm>>
        %dma_wait3A_79 = arith.constant 0 : i32
        %dma_wait3A_80 = tpu.memref_slice %arg2[%add3A_20, %dma_wait3A_79] : memref<5120x64xi32, #tpu.memory_space<hbm>> -> memref<32x64xi32, #tpu.memory_space<hbm>>
        tpu.wait_dma2 semaphore(%run_scoped3A : memref<!tpu.dma_semaphore, #tpu.memory_space<semaphore_mem>>) src(%dma_wait3A_80 : memref<32x64xi32, #tpu.memory_space<hbm>>) dst(%arg7 : memref<32x64xi32, #tpu.memory_space<vmem>>)
        tpu.yield
      }) : () -> ()
      "tpu.region"() ({
        %run_scoped3A = tpu.sem_alloc : memref<!tpu.dma_semaphore, #tpu.memory_space<semaphore_mem>>
        %dma_start3A_74 = arith.constant 0 : i32
        %dma_start3A_75 = tpu.memref_slice %arg3[%add3A_20, %dma_start3A_74] : memref<5120x64xi32, #tpu.memory_space<hbm>> -> memref<32x64xi32, #tpu.memory_space<hbm>>
        %dma_start3A_76 = arith.constant 0 : i32
        %dma_start3A_77 = tpu.memref_slice %arg3[%add3A_20, %dma_start3A_76] : memref<5120x64xi32, #tpu.memory_space<hbm>> -> memref<32x64xi32, #tpu.memory_space<hbm>>
        tpu.enqueue_dma source(%dma_start3A_77 : memref<32x64xi32, #tpu.memory_space<hbm>>) target(%arg8 : memref<32x64xi32, #tpu.memory_space<vmem>>) target_semaphore(%run_scoped3A : memref<!tpu.dma_semaphore, #tpu.memory_space<semaphore_mem>>)
        %dma_wait3A = arith.constant 0 : i32
        %dma_wait3A_78 = tpu.memref_slice %arg3[%add3A_20, %dma_wait3A] : memref<5120x64xi32, #tpu.memory_space<hbm>> -> memref<32x64xi32, #tpu.memory_space<hbm>>
        %dma_wait3A_79 = arith.constant 0 : i32
        %dma_wait3A_80 = tpu.memref_slice %arg3[%add3A_20, %dma_wait3A_79] : memref<5120x64xi32, #tpu.memory_space<hbm>> -> memref<32x64xi32, #tpu.memory_space<hbm>>
        tpu.wait_dma2 semaphore(%run_scoped3A : memref<!tpu.dma_semaphore, #tpu.memory_space<semaphore_mem>>) src(%dma_wait3A_80 : memref<32x64xi32, #tpu.memory_space<hbm>>) dst(%arg8 : memref<32x64xi32, #tpu.memory_space<vmem>>)
        tpu.yield
      }) : () -> ()
      %dma_start3A = arith.constant 0 : i32
      %dma_start3A_21 = arith.constant 0 : i32
      %dma_start3A_22 = arith.constant 0 : i32
      %dma_start3A_23 = arith.constant 0 : i32
      %dma_start3A_24 = tpu.memref_slice %arg9[%dma_start3A_21, %dma_start3A_22, %dma_start3A_23] : memref<4x64x128xf32, #tpu.memory_space<vmem>> -> memref<1x64x128xf32, #tpu.memory_space<vmem>>
      %dma_start3A_25 = tpu.memref_squeeze %dma_start3A_24 : memref<1x64x128xf32, #tpu.memory_space<vmem>> -> memref<64x128xf32, #tpu.memory_space<vmem>>
      %dma_start3A_26 = arith.constant 0 : i32
      %dma_start3A_27 = tpu.memref_slice %arg7[%dma_start3A, %dma_start3A_26] : memref<32x64xi32, #tpu.memory_space<vmem>> -> memref<1x64xi32, #tpu.memory_space<vmem>>
      %dma_start3A_28 = tpu.memref_squeeze %dma_start3A_27 : memref<1x64xi32, #tpu.memory_space<vmem>> -> memref<64xi32, #tpu.memory_space<vmem>>
      %dma_start3A_29 = arith.constant 0 : i32
      %dma_start3A_30 = arith.constant 0 : i32
      %dma_start3A_31 = tpu.memref_slice %arg4[%dma_start3A_29, %dma_start3A_30] : memref<10240x128xf32, #tpu.memory_space<hbm>> -> memref<10240x128xf32, #tpu.memory_space<hbm>>
      tpu.enqueue_indirect_dma source(%dma_start3A_31 : memref<10240x128xf32, #tpu.memory_space<hbm>>) target(%dma_start3A_25 : memref<64x128xf32, #tpu.memory_space<vmem>>) offsets(%dma_start3A_28 : memref<64xi32, #tpu.memory_space<vmem>>) semaphore(%arg11 : memref<!tpu.dma_semaphore, #tpu.memory_space<semaphore_mem>>)
      %dma_start3A_32 = arith.constant 1 : i32
      %dma_start3A_33 = arith.constant 1 : i32
      %dma_start3A_34 = arith.constant 0 : i32
      %dma_start3A_35 = arith.constant 0 : i32
      %dma_start3A_36 = tpu.memref_slice %arg9[%dma_start3A_33, %dma_start3A_34, %dma_start3A_35] : memref<4x64x128xf32, #tpu.memory_space<vmem>> -> memref<1x64x128xf32, #tpu.memory_space<vmem>>
      %dma_start3A_37 = tpu.memref_squeeze %dma_start3A_36 : memref<1x64x128xf32, #tpu.memory_space<vmem>> -> memref<64x128xf32, #tpu.memory_space<vmem>>
      %dma_start3A_38 = arith.constant 0 : i32
      %dma_start3A_39 = tpu.memref_slice %arg7[%dma_start3A_32, %dma_start3A_38] : memref<32x64xi32, #tpu.memory_space<vmem>> -> memref<1x64xi32, #tpu.memory_space<vmem>>
      %dma_start3A_40 = tpu.memref_squeeze %dma_start3A_39 : memref<1x64xi32, #tpu.memory_space<vmem>> -> memref<64xi32, #tpu.memory_space<vmem>>
      %dma_start3A_41 = arith.constant 0 : i32
      %dma_start3A_42 = arith.constant 0 : i32
      %dma_start3A_43 = tpu.memref_slice %arg4[%dma_start3A_41, %dma_start3A_42] : memref<10240x128xf32, #tpu.memory_space<hbm>> -> memref<10240x128xf32, #tpu.memory_space<hbm>>
      tpu.enqueue_indirect_dma source(%dma_start3A_43 : memref<10240x128xf32, #tpu.memory_space<hbm>>) target(%dma_start3A_37 : memref<64x128xf32, #tpu.memory_space<vmem>>) offsets(%dma_start3A_40 : memref<64xi32, #tpu.memory_space<vmem>>) semaphore(%arg12 : memref<!tpu.dma_semaphore, #tpu.memory_space<semaphore_mem>>)
      %dma_start3A_44 = arith.constant 2 : i32
      %dma_start3A_45 = arith.constant 2 : i32
      %dma_start3A_46 = arith.constant 0 : i32
      %dma_start3A_47 = arith.constant 0 : i32
      %dma_start3A_48 = tpu.memref_slice %arg9[%dma_start3A_45, %dma_start3A_46, %dma_start3A_47] : memref<4x64x128xf32, #tpu.memory_space<vmem>> -> memref<1x64x128xf32, #tpu.memory_space<vmem>>
      %dma_start3A_49 = tpu.memref_squeeze %dma_start3A_48 : memref<1x64x128xf32, #tpu.memory_space<vmem>> -> memref<64x128xf32, #tpu.memory_space<vmem>>
      %dma_start3A_50 = arith.constant 0 : i32
      %dma_start3A_51 = tpu.memref_slice %arg7[%dma_start3A_44, %dma_start3A_50] : memref<32x64xi32, #tpu.memory_space<vmem>> -> memref<1x64xi32, #tpu.memory_space<vmem>>
      %dma_start3A_52 = tpu.memref_squeeze %dma_start3A_51 : memref<1x64xi32, #tpu.memory_space<vmem>> -> memref<64xi32, #tpu.memory_space<vmem>>
      %dma_start3A_53 = arith.constant 0 : i32
      %dma_start3A_54 = arith.constant 0 : i32
      %dma_start3A_55 = tpu.memref_slice %arg4[%dma_start3A_53, %dma_start3A_54] : memref<10240x128xf32, #tpu.memory_space<hbm>> -> memref<10240x128xf32, #tpu.memory_space<hbm>>
      tpu.enqueue_indirect_dma source(%dma_start3A_55 : memref<10240x128xf32, #tpu.memory_space<hbm>>) target(%dma_start3A_49 : memref<64x128xf32, #tpu.memory_space<vmem>>) offsets(%dma_start3A_52 : memref<64xi32, #tpu.memory_space<vmem>>) semaphore(%arg13 : memref<!tpu.dma_semaphore, #tpu.memory_space<semaphore_mem>>)
      %dma_start3A_56 = arith.constant 3 : i32
      %dma_start3A_57 = arith.constant 3 : i32
      %dma_start3A_58 = arith.constant 0 : i32
      %dma_start3A_59 = arith.constant 0 : i32
      %dma_start3A_60 = tpu.memref_slice %arg9[%dma_start3A_57, %dma_start3A_58, %dma_start3A_59] : memref<4x64x128xf32, #tpu.memory_space<vmem>> -> memref<1x64x128xf32, #tpu.memory_space<vmem>>
      %dma_start3A_61 = tpu.memref_squeeze %dma_start3A_60 : memref<1x64x128xf32, #tpu.memory_space<vmem>> -> memref<64x128xf32, #tpu.memory_space<vmem>>
      %dma_start3A_62 = arith.constant 0 : i32
      %dma_start3A_63 = tpu.memref_slice %arg7[%dma_start3A_56, %dma_start3A_62] : memref<32x64xi32, #tpu.memory_space<vmem>> -> memref<1x64xi32, #tpu.memory_space<vmem>>
      %dma_start3A_64 = tpu.memref_squeeze %dma_start3A_63 : memref<1x64xi32, #tpu.memory_space<vmem>> -> memref<64xi32, #tpu.memory_space<vmem>>
      %dma_start3A_65 = arith.constant 0 : i32
      %dma_start3A_66 = arith.constant 0 : i32
      %dma_start3A_67 = tpu.memref_slice %arg4[%dma_start3A_65, %dma_start3A_66] : memref<10240x128xf32, #tpu.memory_space<hbm>> -> memref<10240x128xf32, #tpu.memory_space<hbm>>
      tpu.enqueue_indirect_dma source(%dma_start3A_67 : memref<10240x128xf32, #tpu.memory_space<hbm>>) target(%dma_start3A_61 : memref<64x128xf32, #tpu.memory_space<vmem>>) offsets(%dma_start3A_64 : memref<64xi32, #tpu.memory_space<vmem>>) semaphore(%arg14 : memref<!tpu.dma_semaphore, #tpu.memory_space<semaphore_mem>>)
      %scan3A_68 = arith.constant 0 : i32
      %scan3A_69 = arith.constant 0 : i32
      %scan3A_70 = arith.constant 8 : i32
      %scan3A_71 = arith.addi %scan3A_69, %scan3A_70 : i32
      %scan3A_72 = arith.constant 1 : i32
      scf.for %scan3A_74 = %scan3A_69 to %scan3A_71 step %scan3A_72  : i32 {
        %mul3A_75 = arith.constant 4 : i32
        %mul3A_76 = arith.muli %mul3A_75, %scan3A_74 : i32
        %add3A_77 = arith.constant 0 : i32
        %add3A_78 = arith.addi %mul3A_76, %add3A_77 : i32
        %dma_wait3A = arith.constant 0 : i32
        %dma_wait3A_79 = arith.constant 0 : i32
        %dma_wait3A_80 = arith.constant 0 : i32
        %dma_wait3A_81 = tpu.memref_slice %arg9[%dma_wait3A, %dma_wait3A_79, %dma_wait3A_80] : memref<4x64x128xf32, #tpu.memory_space<vmem>> -> memref<1x64x128xf32, #tpu.memory_space<vmem>>
        %dma_wait3A_82 = tpu.memref_squeeze %dma_wait3A_81 : memref<1x64x128xf32, #tpu.memory_space<vmem>> -> memref<64x128xf32, #tpu.memory_space<vmem>>
        %dma_wait3A_83 = arith.constant 0 : i32
        %dma_wait3A_84 = tpu.memref_slice %arg7[%add3A_78, %dma_wait3A_83] : memref<32x64xi32, #tpu.memory_space<vmem>> -> memref<1x64xi32, #tpu.memory_space<vmem>>
        %dma_wait3A_85 = tpu.memref_squeeze %dma_wait3A_84 : memref<1x64xi32, #tpu.memory_space<vmem>> -> memref<64xi32, #tpu.memory_space<vmem>>
        %dma_wait3A_86 = arith.constant 0 : i32
        %dma_wait3A_87 = arith.constant 0 : i32
        %dma_wait3A_88 = tpu.memref_slice %arg4[%dma_wait3A_86, %dma_wait3A_87] : memref<10240x128xf32, #tpu.memory_space<hbm>> -> memref<10240x128xf32, #tpu.memory_space<hbm>>
        tpu.wait_indirect_dma semaphore(%arg11 : memref<!tpu.dma_semaphore, #tpu.memory_space<semaphore_mem>>) src(%dma_wait3A_88 : memref<10240x128xf32, #tpu.memory_space<hbm>>) dst(%dma_wait3A_82 : memref<64x128xf32, #tpu.memory_space<vmem>>)
        %run_scoped3A = arith.constant 0 : i32
        "tpu.region"() ({
          %run_scoped3A_162 = tpu.sem_alloc : memref<!tpu.dma_semaphore, #tpu.memory_space<semaphore_mem>>
          %dma_start3A_163 = arith.constant 0 : i32
          %dma_start3A_164 = arith.constant 0 : i32
          %dma_start3A_165 = tpu.memref_slice %arg9[%run_scoped3A, %dma_start3A_163, %dma_start3A_164] : memref<4x64x128xf32, #tpu.memory_space<vmem>> -> memref<1x64x128xf32, #tpu.memory_space<vmem>>
          %dma_start3A_166 = tpu.memref_squeeze %dma_start3A_165 : memref<1x64x128xf32, #tpu.memory_space<vmem>> -> memref<64x128xf32, #tpu.memory_space<vmem>>
          %dma_start3A_167 = arith.constant 0 : i32
          %dma_start3A_168 = tpu.memref_slice %arg8[%add3A_78, %dma_start3A_167] : memref<32x64xi32, #tpu.memory_space<vmem>> -> memref<1x64xi32, #tpu.memory_space<vmem>>
          %dma_start3A_169 = tpu.memref_squeeze %dma_start3A_168 : memref<1x64xi32, #tpu.memory_space<vmem>> -> memref<64xi32, #tpu.memory_space<vmem>>
          %dma_start3A_170 = arith.constant 0 : i32
          %dma_start3A_171 = arith.constant 0 : i32
          %dma_start3A_172 = tpu.memref_slice %arg10[%dma_start3A_170, %dma_start3A_171] : memref<10240x128xf32, #tpu.memory_space<vmem_shared>> -> memref<10240x128xf32, #tpu.memory_space<vmem_shared>>
          tpu.enqueue_indirect_dma source(%dma_start3A_166 : memref<64x128xf32, #tpu.memory_space<vmem>>) target(%dma_start3A_172 : memref<10240x128xf32, #tpu.memory_space<vmem_shared>>) offsets(%dma_start3A_169 : memref<64xi32, #tpu.memory_space<vmem>>) semaphore(%run_scoped3A_162 : memref<!tpu.dma_semaphore, #tpu.memory_space<semaphore_mem>>) {add = true}
          %dma_wait3A_173 = arith.constant 0 : i32
          %dma_wait3A_174 = arith.constant 0 : i32
          %dma_wait3A_175 = tpu.memref_slice %arg9[%run_scoped3A, %dma_wait3A_173, %dma_wait3A_174] : memref<4x64x128xf32, #tpu.memory_space<vmem>> -> memref<1x64x128xf32, #tpu.memory_space<vmem>>
          %dma_wait3A_176 = tpu.memref_squeeze %dma_wait3A_175 : memref<1x64x128xf32, #tpu.memory_space<vmem>> -> memref<64x128xf32, #tpu.memory_space<vmem>>
          %dma_wait3A_177 = arith.constant 0 : i32
          %dma_wait3A_178 = tpu.memref_slice %arg8[%add3A_78, %dma_wait3A_177] : memref<32x64xi32, #tpu.memory_space<vmem>> -> memref<1x64xi32, #tpu.memory_space<vmem>>
          %dma_wait3A_179 = tpu.memref_squeeze %dma_wait3A_178 : memref<1x64xi32, #tpu.memory_space<vmem>> -> memref<64xi32, #tpu.memory_space<vmem>>
          %dma_wait3A_180 = arith.constant 0 : i32
          %dma_wait3A_181 = arith.constant 0 : i32
          %dma_wait3A_182 = tpu.memref_slice %arg10[%dma_wait3A_180, %dma_wait3A_181] : memref<10240x128xf32, #tpu.memory_space<vmem_shared>> -> memref<10240x128xf32, #tpu.memory_space<vmem_shared>>
          tpu.wait_indirect_dma semaphore(%run_scoped3A_162 : memref<!tpu.dma_semaphore, #tpu.memory_space<semaphore_mem>>) src(%dma_wait3A_176 : memref<64x128xf32, #tpu.memory_space<vmem>>) dst(%dma_wait3A_182 : memref<10240x128xf32, #tpu.memory_space<vmem_shared>>)
          tpu.yield
        }) : () -> ()
        %add3A_89 = arith.constant 4 : i32
        %add3A_90 = arith.addi %add3A_78, %add3A_89 : i32
        %lt3A = arith.constant 32 : i32
        %lt3A_91 = arith.cmpi slt, %add3A_90, %lt3A : i32
        %convert_element_type3A = arith.extui %lt3A_91 : i1 to i32
        %cond3A = arith.constant 0 : i32
        %cond3A_92 = arith.cmpi ne, %convert_element_type3A, %cond3A : i32
        scf.if %cond3A_92 {
          %add3A_162 = arith.constant 4 : i32
          %add3A_163 = arith.addi %add3A_78, %add3A_162 : i32
          %dma_start3A_164 = arith.constant 0 : i32
          %dma_start3A_165 = arith.constant 0 : i32
          %dma_start3A_166 = arith.constant 0 : i32
          %dma_start3A_167 = tpu.memref_slice %arg9[%dma_start3A_164, %dma_start3A_165, %dma_start3A_166] : memref<4x64x128xf32, #tpu.memory_space<vmem>> -> memref<1x64x128xf32, #tpu.memory_space<vmem>>
          %dma_start3A_168 = tpu.memref_squeeze %dma_start3A_167 : memref<1x64x128xf32, #tpu.memory_space<vmem>> -> memref<64x128xf32, #tpu.memory_space<vmem>>
          %dma_start3A_169 = arith.constant 0 : i32
          %dma_start3A_170 = tpu.memref_slice %arg7[%add3A_163, %dma_start3A_169] : memref<32x64xi32, #tpu.memory_space<vmem>> -> memref<1x64xi32, #tpu.memory_space<vmem>>
          %dma_start3A_171 = tpu.memref_squeeze %dma_start3A_170 : memref<1x64xi32, #tpu.memory_space<vmem>> -> memref<64xi32, #tpu.memory_space<vmem>>
          %dma_start3A_172 = arith.constant 0 : i32
          %dma_start3A_173 = arith.constant 0 : i32
          %dma_start3A_174 = tpu.memref_slice %arg4[%dma_start3A_172, %dma_start3A_173] : memref<10240x128xf32, #tpu.memory_space<hbm>> -> memref<10240x128xf32, #tpu.memory_space<hbm>>
          tpu.enqueue_indirect_dma source(%dma_start3A_174 : memref<10240x128xf32, #tpu.memory_space<hbm>>) target(%dma_start3A_168 : memref<64x128xf32, #tpu.memory_space<vmem>>) offsets(%dma_start3A_171 : memref<64xi32, #tpu.memory_space<vmem>>) semaphore(%arg11 : memref<!tpu.dma_semaphore, #tpu.memory_space<semaphore_mem>>)
        } else {
        }
        %mul3A_93 = arith.constant 4 : i32
        %mul3A_94 = arith.muli %mul3A_93, %scan3A_74 : i32
        %add3A_95 = arith.constant 1 : i32
        %add3A_96 = arith.addi %mul3A_94, %add3A_95 : i32
        %dma_wait3A_97 = arith.constant 1 : i32
        %dma_wait3A_98 = arith.constant 0 : i32
        %dma_wait3A_99 = arith.constant 0 : i32
        %dma_wait3A_100 = tpu.memref_slice %arg9[%dma_wait3A_97, %dma_wait3A_98, %dma_wait3A_99] : memref<4x64x128xf32, #tpu.memory_space<vmem>> -> memref<1x64x128xf32, #tpu.memory_space<vmem>>
        %dma_wait3A_101 = tpu.memref_squeeze %dma_wait3A_100 : memref<1x64x128xf32, #tpu.memory_space<vmem>> -> memref<64x128xf32, #tpu.memory_space<vmem>>
        %dma_wait3A_102 = arith.constant 0 : i32
        %dma_wait3A_103 = tpu.memref_slice %arg7[%add3A_96, %dma_wait3A_102] : memref<32x64xi32, #tpu.memory_space<vmem>> -> memref<1x64xi32, #tpu.memory_space<vmem>>
        %dma_wait3A_104 = tpu.memref_squeeze %dma_wait3A_103 : memref<1x64xi32, #tpu.memory_space<vmem>> -> memref<64xi32, #tpu.memory_space<vmem>>
        %dma_wait3A_105 = arith.constant 0 : i32
        %dma_wait3A_106 = arith.constant 0 : i32
        %dma_wait3A_107 = tpu.memref_slice %arg4[%dma_wait3A_105, %dma_wait3A_106] : memref<10240x128xf32, #tpu.memory_space<hbm>> -> memref<10240x128xf32, #tpu.memory_space<hbm>>
        tpu.wait_indirect_dma semaphore(%arg12 : memref<!tpu.dma_semaphore, #tpu.memory_space<semaphore_mem>>) src(%dma_wait3A_107 : memref<10240x128xf32, #tpu.memory_space<hbm>>) dst(%dma_wait3A_101 : memref<64x128xf32, #tpu.memory_space<vmem>>)
        %run_scoped3A_108 = arith.constant 1 : i32
        "tpu.region"() ({
          %run_scoped3A_162 = tpu.sem_alloc : memref<!tpu.dma_semaphore, #tpu.memory_space<semaphore_mem>>
          %dma_start3A_163 = arith.constant 0 : i32
          %dma_start3A_164 = arith.constant 0 : i32
          %dma_start3A_165 = tpu.memref_slice %arg9[%run_scoped3A_108, %dma_start3A_163, %dma_start3A_164] : memref<4x64x128xf32, #tpu.memory_space<vmem>> -> memref<1x64x128xf32, #tpu.memory_space<vmem>>
          %dma_start3A_166 = tpu.memref_squeeze %dma_start3A_165 : memref<1x64x128xf32, #tpu.memory_space<vmem>> -> memref<64x128xf32, #tpu.memory_space<vmem>>
          %dma_start3A_167 = arith.constant 0 : i32
          %dma_start3A_168 = tpu.memref_slice %arg8[%add3A_96, %dma_start3A_167] : memref<32x64xi32, #tpu.memory_space<vmem>> -> memref<1x64xi32, #tpu.memory_space<vmem>>
          %dma_start3A_169 = tpu.memref_squeeze %dma_start3A_168 : memref<1x64xi32, #tpu.memory_space<vmem>> -> memref<64xi32, #tpu.memory_space<vmem>>
          %dma_start3A_170 = arith.constant 0 : i32
          %dma_start3A_171 = arith.constant 0 : i32
          %dma_start3A_172 = tpu.memref_slice %arg10[%dma_start3A_170, %dma_start3A_171] : memref<10240x128xf32, #tpu.memory_space<vmem_shared>> -> memref<10240x128xf32, #tpu.memory_space<vmem_shared>>
          tpu.enqueue_indirect_dma source(%dma_start3A_166 : memref<64x128xf32, #tpu.memory_space<vmem>>) target(%dma_start3A_172 : memref<10240x128xf32, #tpu.memory_space<vmem_shared>>) offsets(%dma_start3A_169 : memref<64xi32, #tpu.memory_space<vmem>>) semaphore(%run_scoped3A_162 : memref<!tpu.dma_semaphore, #tpu.memory_space<semaphore_mem>>) {add = true}
          %dma_wait3A_173 = arith.constant 0 : i32
          %dma_wait3A_174 = arith.constant 0 : i32
          %dma_wait3A_175 = tpu.memref_slice %arg9[%run_scoped3A_108, %dma_wait3A_173, %dma_wait3A_174] : memref<4x64x128xf32, #tpu.memory_space<vmem>> -> memref<1x64x128xf32, #tpu.memory_space<vmem>>
          %dma_wait3A_176 = tpu.memref_squeeze %dma_wait3A_175 : memref<1x64x128xf32, #tpu.memory_space<vmem>> -> memref<64x128xf32, #tpu.memory_space<vmem>>
          %dma_wait3A_177 = arith.constant 0 : i32
          %dma_wait3A_178 = tpu.memref_slice %arg8[%add3A_96, %dma_wait3A_177] : memref<32x64xi32, #tpu.memory_space<vmem>> -> memref<1x64xi32, #tpu.memory_space<vmem>>
          %dma_wait3A_179 = tpu.memref_squeeze %dma_wait3A_178 : memref<1x64xi32, #tpu.memory_space<vmem>> -> memref<64xi32, #tpu.memory_space<vmem>>
          %dma_wait3A_180 = arith.constant 0 : i32
          %dma_wait3A_181 = arith.constant 0 : i32
          %dma_wait3A_182 = tpu.memref_slice %arg10[%dma_wait3A_180, %dma_wait3A_181] : memref<10240x128xf32, #tpu.memory_space<vmem_shared>> -> memref<10240x128xf32, #tpu.memory_space<vmem_shared>>
          tpu.wait_indirect_dma semaphore(%run_scoped3A_162 : memref<!tpu.dma_semaphore, #tpu.memory_space<semaphore_mem>>) src(%dma_wait3A_176 : memref<64x128xf32, #tpu.memory_space<vmem>>) dst(%dma_wait3A_182 : memref<10240x128xf32, #tpu.memory_space<vmem_shared>>)
          tpu.yield
        }) : () -> ()
        %add3A_109 = arith.constant 4 : i32
        %add3A_110 = arith.addi %add3A_96, %add3A_109 : i32
        %lt3A_111 = arith.constant 32 : i32
        %lt3A_112 = arith.cmpi slt, %add3A_110, %lt3A_111 : i32
        %convert_element_type3A_113 = arith.extui %lt3A_112 : i1 to i32
        %cond3A_114 = arith.constant 0 : i32
        %cond3A_115 = arith.cmpi ne, %convert_element_type3A_113, %cond3A_114 : i32
        scf.if %cond3A_115 {
          %add3A_162 = arith.constant 4 : i32
          %add3A_163 = arith.addi %add3A_96, %add3A_162 : i32
          %dma_start3A_164 = arith.constant 1 : i32
          %dma_start3A_165 = arith.constant 0 : i32
          %dma_start3A_166 = arith.constant 0 : i32
          %dma_start3A_167 = tpu.memref_slice %arg9[%dma_start3A_164, %dma_start3A_165, %dma_start3A_166] : memref<4x64x128xf32, #tpu.memory_space<vmem>> -> memref<1x64x128xf32, #tpu.memory_space<vmem>>
          %dma_start3A_168 = tpu.memref_squeeze %dma_start3A_167 : memref<1x64x128xf32, #tpu.memory_space<vmem>> -> memref<64x128xf32, #tpu.memory_space<vmem>>
          %dma_start3A_169 = arith.constant 0 : i32
          %dma_start3A_170 = tpu.memref_slice %arg7[%add3A_163, %dma_start3A_169] : memref<32x64xi32, #tpu.memory_space<vmem>> -> memref<1x64xi32, #tpu.memory_space<vmem>>
          %dma_start3A_171 = tpu.memref_squeeze %dma_start3A_170 : memref<1x64xi32, #tpu.memory_space<vmem>> -> memref<64xi32, #tpu.memory_space<vmem>>
          %dma_start3A_172 = arith.constant 0 : i32
          %dma_start3A_173 = arith.constant 0 : i32
          %dma_start3A_174 = tpu.memref_slice %arg4[%dma_start3A_172, %dma_start3A_173] : memref<10240x128xf32, #tpu.memory_space<hbm>> -> memref<10240x128xf32, #tpu.memory_space<hbm>>
          tpu.enqueue_indirect_dma source(%dma_start3A_174 : memref<10240x128xf32, #tpu.memory_space<hbm>>) target(%dma_start3A_168 : memref<64x128xf32, #tpu.memory_space<vmem>>) offsets(%dma_start3A_171 : memref<64xi32, #tpu.memory_space<vmem>>) semaphore(%arg12 : memref<!tpu.dma_semaphore, #tpu.memory_space<semaphore_mem>>)
        } else {
        }
        %mul3A_116 = arith.constant 4 : i32
        %mul3A_117 = arith.muli %mul3A_116, %scan3A_74 : i32
        %add3A_118 = arith.constant 2 : i32
        %add3A_119 = arith.addi %mul3A_117, %add3A_118 : i32
        %dma_wait3A_120 = arith.constant 2 : i32
        %dma_wait3A_121 = arith.constant 0 : i32
        %dma_wait3A_122 = arith.constant 0 : i32
        %dma_wait3A_123 = tpu.memref_slice %arg9[%dma_wait3A_120, %dma_wait3A_121, %dma_wait3A_122] : memref<4x64x128xf32, #tpu.memory_space<vmem>> -> memref<1x64x128xf32, #tpu.memory_space<vmem>>
        %dma_wait3A_124 = tpu.memref_squeeze %dma_wait3A_123 : memref<1x64x128xf32, #tpu.memory_space<vmem>> -> memref<64x128xf32, #tpu.memory_space<vmem>>
        %dma_wait3A_125 = arith.constant 0 : i32
        %dma_wait3A_126 = tpu.memref_slice %arg7[%add3A_119, %dma_wait3A_125] : memref<32x64xi32, #tpu.memory_space<vmem>> -> memref<1x64xi32, #tpu.memory_space<vmem>>
        %dma_wait3A_127 = tpu.memref_squeeze %dma_wait3A_126 : memref<1x64xi32, #tpu.memory_space<vmem>> -> memref<64xi32, #tpu.memory_space<vmem>>
        %dma_wait3A_128 = arith.constant 0 : i32
        %dma_wait3A_129 = arith.constant 0 : i32
        %dma_wait3A_130 = tpu.memref_slice %arg4[%dma_wait3A_128, %dma_wait3A_129] : memref<10240x128xf32, #tpu.memory_space<hbm>> -> memref<10240x128xf32, #tpu.memory_space<hbm>>
        tpu.wait_indirect_dma semaphore(%arg13 : memref<!tpu.dma_semaphore, #tpu.memory_space<semaphore_mem>>) src(%dma_wait3A_130 : memref<10240x128xf32, #tpu.memory_space<hbm>>) dst(%dma_wait3A_124 : memref<64x128xf32, #tpu.memory_space<vmem>>)
        %run_scoped3A_131 = arith.constant 2 : i32
        "tpu.region"() ({
          %run_scoped3A_162 = tpu.sem_alloc : memref<!tpu.dma_semaphore, #tpu.memory_space<semaphore_mem>>
          %dma_start3A_163 = arith.constant 0 : i32
          %dma_start3A_164 = arith.constant 0 : i32
          %dma_start3A_165 = tpu.memref_slice %arg9[%run_scoped3A_131, %dma_start3A_163, %dma_start3A_164] : memref<4x64x128xf32, #tpu.memory_space<vmem>> -> memref<1x64x128xf32, #tpu.memory_space<vmem>>
          %dma_start3A_166 = tpu.memref_squeeze %dma_start3A_165 : memref<1x64x128xf32, #tpu.memory_space<vmem>> -> memref<64x128xf32, #tpu.memory_space<vmem>>
          %dma_start3A_167 = arith.constant 0 : i32
          %dma_start3A_168 = tpu.memref_slice %arg8[%add3A_119, %dma_start3A_167] : memref<32x64xi32, #tpu.memory_space<vmem>> -> memref<1x64xi32, #tpu.memory_space<vmem>>
          %dma_start3A_169 = tpu.memref_squeeze %dma_start3A_168 : memref<1x64xi32, #tpu.memory_space<vmem>> -> memref<64xi32, #tpu.memory_space<vmem>>
          %dma_start3A_170 = arith.constant 0 : i32
          %dma_start3A_171 = arith.constant 0 : i32
          %dma_start3A_172 = tpu.memref_slice %arg10[%dma_start3A_170, %dma_start3A_171] : memref<10240x128xf32, #tpu.memory_space<vmem_shared>> -> memref<10240x128xf32, #tpu.memory_space<vmem_shared>>
          tpu.enqueue_indirect_dma source(%dma_start3A_166 : memref<64x128xf32, #tpu.memory_space<vmem>>) target(%dma_start3A_172 : memref<10240x128xf32, #tpu.memory_space<vmem_shared>>) offsets(%dma_start3A_169 : memref<64xi32, #tpu.memory_space<vmem>>) semaphore(%run_scoped3A_162 : memref<!tpu.dma_semaphore, #tpu.memory_space<semaphore_mem>>) {add = true}
          %dma_wait3A_173 = arith.constant 0 : i32
          %dma_wait3A_174 = arith.constant 0 : i32
          %dma_wait3A_175 = tpu.memref_slice %arg9[%run_scoped3A_131, %dma_wait3A_173, %dma_wait3A_174] : memref<4x64x128xf32, #tpu.memory_space<vmem>> -> memref<1x64x128xf32, #tpu.memory_space<vmem>>
          %dma_wait3A_176 = tpu.memref_squeeze %dma_wait3A_175 : memref<1x64x128xf32, #tpu.memory_space<vmem>> -> memref<64x128xf32, #tpu.memory_space<vmem>>
          %dma_wait3A_177 = arith.constant 0 : i32
          %dma_wait3A_178 = tpu.memref_slice %arg8[%add3A_119, %dma_wait3A_177] : memref<32x64xi32, #tpu.memory_space<vmem>> -> memref<1x64xi32, #tpu.memory_space<vmem>>
          %dma_wait3A_179 = tpu.memref_squeeze %dma_wait3A_178 : memref<1x64xi32, #tpu.memory_space<vmem>> -> memref<64xi32, #tpu.memory_space<vmem>>
          %dma_wait3A_180 = arith.constant 0 : i32
          %dma_wait3A_181 = arith.constant 0 : i32
          %dma_wait3A_182 = tpu.memref_slice %arg10[%dma_wait3A_180, %dma_wait3A_181] : memref<10240x128xf32, #tpu.memory_space<vmem_shared>> -> memref<10240x128xf32, #tpu.memory_space<vmem_shared>>
          tpu.wait_indirect_dma semaphore(%run_scoped3A_162 : memref<!tpu.dma_semaphore, #tpu.memory_space<semaphore_mem>>) src(%dma_wait3A_176 : memref<64x128xf32, #tpu.memory_space<vmem>>) dst(%dma_wait3A_182 : memref<10240x128xf32, #tpu.memory_space<vmem_shared>>)
          tpu.yield
        }) : () -> ()
        %add3A_132 = arith.constant 4 : i32
        %add3A_133 = arith.addi %add3A_119, %add3A_132 : i32
        %lt3A_134 = arith.constant 32 : i32
        %lt3A_135 = arith.cmpi slt, %add3A_133, %lt3A_134 : i32
        %convert_element_type3A_136 = arith.extui %lt3A_135 : i1 to i32
        %cond3A_137 = arith.constant 0 : i32
        %cond3A_138 = arith.cmpi ne, %convert_element_type3A_136, %cond3A_137 : i32
        scf.if %cond3A_138 {
          %add3A_162 = arith.constant 4 : i32
          %add3A_163 = arith.addi %add3A_119, %add3A_162 : i32
          %dma_start3A_164 = arith.constant 2 : i32
          %dma_start3A_165 = arith.constant 0 : i32
          %dma_start3A_166 = arith.constant 0 : i32
          %dma_start3A_167 = tpu.memref_slice %arg9[%dma_start3A_164, %dma_start3A_165, %dma_start3A_166] : memref<4x64x128xf32, #tpu.memory_space<vmem>> -> memref<1x64x128xf32, #tpu.memory_space<vmem>>
          %dma_start3A_168 = tpu.memref_squeeze %dma_start3A_167 : memref<1x64x128xf32, #tpu.memory_space<vmem>> -> memref<64x128xf32, #tpu.memory_space<vmem>>
          %dma_start3A_169 = arith.constant 0 : i32
          %dma_start3A_170 = tpu.memref_slice %arg7[%add3A_163, %dma_start3A_169] : memref<32x64xi32, #tpu.memory_space<vmem>> -> memref<1x64xi32, #tpu.memory_space<vmem>>
          %dma_start3A_171 = tpu.memref_squeeze %dma_start3A_170 : memref<1x64xi32, #tpu.memory_space<vmem>> -> memref<64xi32, #tpu.memory_space<vmem>>
          %dma_start3A_172 = arith.constant 0 : i32
          %dma_start3A_173 = arith.constant 0 : i32
          %dma_start3A_174 = tpu.memref_slice %arg4[%dma_start3A_172, %dma_start3A_173] : memref<10240x128xf32, #tpu.memory_space<hbm>> -> memref<10240x128xf32, #tpu.memory_space<hbm>>
          tpu.enqueue_indirect_dma source(%dma_start3A_174 : memref<10240x128xf32, #tpu.memory_space<hbm>>) target(%dma_start3A_168 : memref<64x128xf32, #tpu.memory_space<vmem>>) offsets(%dma_start3A_171 : memref<64xi32, #tpu.memory_space<vmem>>) semaphore(%arg13 : memref<!tpu.dma_semaphore, #tpu.memory_space<semaphore_mem>>)
        } else {
        }
        %mul3A_139 = arith.constant 4 : i32
        %mul3A_140 = arith.muli %mul3A_139, %scan3A_74 : i32
        %add3A_141 = arith.constant 3 : i32
        %add3A_142 = arith.addi %mul3A_140, %add3A_141 : i32
        %dma_wait3A_143 = arith.constant 3 : i32
        %dma_wait3A_144 = arith.constant 0 : i32
        %dma_wait3A_145 = arith.constant 0 : i32
        %dma_wait3A_146 = tpu.memref_slice %arg9[%dma_wait3A_143, %dma_wait3A_144, %dma_wait3A_145] : memref<4x64x128xf32, #tpu.memory_space<vmem>> -> memref<1x64x128xf32, #tpu.memory_space<vmem>>
        %dma_wait3A_147 = tpu.memref_squeeze %dma_wait3A_146 : memref<1x64x128xf32, #tpu.memory_space<vmem>> -> memref<64x128xf32, #tpu.memory_space<vmem>>
        %dma_wait3A_148 = arith.constant 0 : i32
        %dma_wait3A_149 = tpu.memref_slice %arg7[%add3A_142, %dma_wait3A_148] : memref<32x64xi32, #tpu.memory_space<vmem>> -> memref<1x64xi32, #tpu.memory_space<vmem>>
        %dma_wait3A_150 = tpu.memref_squeeze %dma_wait3A_149 : memref<1x64xi32, #tpu.memory_space<vmem>> -> memref<64xi32, #tpu.memory_space<vmem>>
        %dma_wait3A_151 = arith.constant 0 : i32
        %dma_wait3A_152 = arith.constant 0 : i32
        %dma_wait3A_153 = tpu.memref_slice %arg4[%dma_wait3A_151, %dma_wait3A_152] : memref<10240x128xf32, #tpu.memory_space<hbm>> -> memref<10240x128xf32, #tpu.memory_space<hbm>>
        tpu.wait_indirect_dma semaphore(%arg14 : memref<!tpu.dma_semaphore, #tpu.memory_space<semaphore_mem>>) src(%dma_wait3A_153 : memref<10240x128xf32, #tpu.memory_space<hbm>>) dst(%dma_wait3A_147 : memref<64x128xf32, #tpu.memory_space<vmem>>)
        %run_scoped3A_154 = arith.constant 3 : i32
        "tpu.region"() ({
          %run_scoped3A_162 = tpu.sem_alloc : memref<!tpu.dma_semaphore, #tpu.memory_space<semaphore_mem>>
          %dma_start3A_163 = arith.constant 0 : i32
          %dma_start3A_164 = arith.constant 0 : i32
          %dma_start3A_165 = tpu.memref_slice %arg9[%run_scoped3A_154, %dma_start3A_163, %dma_start3A_164] : memref<4x64x128xf32, #tpu.memory_space<vmem>> -> memref<1x64x128xf32, #tpu.memory_space<vmem>>
          %dma_start3A_166 = tpu.memref_squeeze %dma_start3A_165 : memref<1x64x128xf32, #tpu.memory_space<vmem>> -> memref<64x128xf32, #tpu.memory_space<vmem>>
          %dma_start3A_167 = arith.constant 0 : i32
          %dma_start3A_168 = tpu.memref_slice %arg8[%add3A_142, %dma_start3A_167] : memref<32x64xi32, #tpu.memory_space<vmem>> -> memref<1x64xi32, #tpu.memory_space<vmem>>
          %dma_start3A_169 = tpu.memref_squeeze %dma_start3A_168 : memref<1x64xi32, #tpu.memory_space<vmem>> -> memref<64xi32, #tpu.memory_space<vmem>>
          %dma_start3A_170 = arith.constant 0 : i32
          %dma_start3A_171 = arith.constant 0 : i32
          %dma_start3A_172 = tpu.memref_slice %arg10[%dma_start3A_170, %dma_start3A_171] : memref<10240x128xf32, #tpu.memory_space<vmem_shared>> -> memref<10240x128xf32, #tpu.memory_space<vmem_shared>>
          tpu.enqueue_indirect_dma source(%dma_start3A_166 : memref<64x128xf32, #tpu.memory_space<vmem>>) target(%dma_start3A_172 : memref<10240x128xf32, #tpu.memory_space<vmem_shared>>) offsets(%dma_start3A_169 : memref<64xi32, #tpu.memory_space<vmem>>) semaphore(%run_scoped3A_162 : memref<!tpu.dma_semaphore, #tpu.memory_space<semaphore_mem>>) {add = true}
          %dma_wait3A_173 = arith.constant 0 : i32
          %dma_wait3A_174 = arith.constant 0 : i32
          %dma_wait3A_175 = tpu.memref_slice %arg9[%run_scoped3A_154, %dma_wait3A_173, %dma_wait3A_174] : memref<4x64x128xf32, #tpu.memory_space<vmem>> -> memref<1x64x128xf32, #tpu.memory_space<vmem>>
          %dma_wait3A_176 = tpu.memref_squeeze %dma_wait3A_175 : memref<1x64x128xf32, #tpu.memory_space<vmem>> -> memref<64x128xf32, #tpu.memory_space<vmem>>
          %dma_wait3A_177 = arith.constant 0 : i32
          %dma_wait3A_178 = tpu.memref_slice %arg8[%add3A_142, %dma_wait3A_177] : memref<32x64xi32, #tpu.memory_space<vmem>> -> memref<1x64xi32, #tpu.memory_space<vmem>>
          %dma_wait3A_179 = tpu.memref_squeeze %dma_wait3A_178 : memref<1x64xi32, #tpu.memory_space<vmem>> -> memref<64xi32, #tpu.memory_space<vmem>>
          %dma_wait3A_180 = arith.constant 0 : i32
          %dma_wait3A_181 = arith.constant 0 : i32
          %dma_wait3A_182 = tpu.memref_slice %arg10[%dma_wait3A_180, %dma_wait3A_181] : memref<10240x128xf32, #tpu.memory_space<vmem_shared>> -> memref<10240x128xf32, #tpu.memory_space<vmem_shared>>
          tpu.wait_indirect_dma semaphore(%run_scoped3A_162 : memref<!tpu.dma_semaphore, #tpu.memory_space<semaphore_mem>>) src(%dma_wait3A_176 : memref<64x128xf32, #tpu.memory_space<vmem>>) dst(%dma_wait3A_182 : memref<10240x128xf32, #tpu.memory_space<vmem_shared>>)
          tpu.yield
        }) : () -> ()
        %add3A_155 = arith.constant 4 : i32
        %add3A_156 = arith.addi %add3A_142, %add3A_155 : i32
        %lt3A_157 = arith.constant 32 : i32
        %lt3A_158 = arith.cmpi slt, %add3A_156, %lt3A_157 : i32
        %convert_element_type3A_159 = arith.extui %lt3A_158 : i1 to i32
        %cond3A_160 = arith.constant 0 : i32
        %cond3A_161 = arith.cmpi ne, %convert_element_type3A_159, %cond3A_160 : i32
        scf.if %cond3A_161 {
          %add3A_162 = arith.constant 4 : i32
          %add3A_163 = arith.addi %add3A_142, %add3A_162 : i32
          %dma_start3A_164 = arith.constant 3 : i32
          %dma_start3A_165 = arith.constant 0 : i32
          %dma_start3A_166 = arith.constant 0 : i32
          %dma_start3A_167 = tpu.memref_slice %arg9[%dma_start3A_164, %dma_start3A_165, %dma_start3A_166] : memref<4x64x128xf32, #tpu.memory_space<vmem>> -> memref<1x64x128xf32, #tpu.memory_space<vmem>>
          %dma_start3A_168 = tpu.memref_squeeze %dma_start3A_167 : memref<1x64x128xf32, #tpu.memory_space<vmem>> -> memref<64x128xf32, #tpu.memory_space<vmem>>
          %dma_start3A_169 = arith.constant 0 : i32
          %dma_start3A_170 = tpu.memref_slice %arg7[%add3A_163, %dma_start3A_169] : memref<32x64xi32, #tpu.memory_space<vmem>> -> memref<1x64xi32, #tpu.memory_space<vmem>>
          %dma_start3A_171 = tpu.memref_squeeze %dma_start3A_170 : memref<1x64xi32, #tpu.memory_space<vmem>> -> memref<64xi32, #tpu.memory_space<vmem>>
          %dma_start3A_172 = arith.constant 0 : i32
          %dma_start3A_173 = arith.constant 0 : i32
          %dma_start3A_174 = tpu.memref_slice %arg4[%dma_start3A_172, %dma_start3A_173] : memref<10240x128xf32, #tpu.memory_space<hbm>> -> memref<10240x128xf32, #tpu.memory_space<hbm>>
          tpu.enqueue_indirect_dma source(%dma_start3A_174 : memref<10240x128xf32, #tpu.memory_space<hbm>>) target(%dma_start3A_168 : memref<64x128xf32, #tpu.memory_space<vmem>>) offsets(%dma_start3A_171 : memref<64xi32, #tpu.memory_space<vmem>>) semaphore(%arg14 : memref<!tpu.dma_semaphore, #tpu.memory_space<semaphore_mem>>)
        } else {
        }
      }
      %scan3A_73 = arith.constant 8 : i32
    }
    %scan3A_9 = arith.constant 5 : i32
    %barrier3A_10 = arith.constant 0 : index
    tpu.barrier barrier_id(%barrier3A_10)
    %mul3A_11 = arith.constant 640 : i32
    %mul3A_12 = arith.muli %arg1, %mul3A_11 : i32
    %mul3A_13 = arith.constant 640 : i32
    %mul3A_14 = arith.muli %arg1, %mul3A_13 : i32
    "tpu.region"() ({
      %run_scoped3A = tpu.sem_alloc : memref<!tpu.dma_semaphore, #tpu.memory_space<semaphore_mem>>
      %dma_start3A = arith.constant 0 : i32
      %dma_start3A_15 = tpu.memref_slice %arg6[%arg0, %mul3A_14, %dma_start3A] : memref<2x10240x128xf32, #tpu.memory_space<hbm>> -> memref<1x640x128xf32, #tpu.memory_space<hbm>>
      %dma_start3A_16 = tpu.memref_squeeze %dma_start3A_15 : memref<1x640x128xf32, #tpu.memory_space<hbm>> -> memref<640x128xf32, #tpu.memory_space<hbm>>
      %dma_start3A_17 = arith.constant 0 : i32
      %dma_start3A_18 = tpu.memref_slice %arg10[%mul3A_12, %dma_start3A_17] : memref<10240x128xf32, #tpu.memory_space<vmem_shared>> -> memref<640x128xf32, #tpu.memory_space<vmem_shared>>
      tpu.enqueue_dma source(%dma_start3A_18 : memref<640x128xf32, #tpu.memory_space<vmem_shared>>) target(%dma_start3A_16 : memref<640x128xf32, #tpu.memory_space<hbm>>) target_semaphore(%run_scoped3A : memref<!tpu.dma_semaphore, #tpu.memory_space<semaphore_mem>>)
      %dma_wait3A = arith.constant 0 : i32
      %dma_wait3A_19 = tpu.memref_slice %arg6[%arg0, %mul3A_14, %dma_wait3A] : memref<2x10240x128xf32, #tpu.memory_space<hbm>> -> memref<1x640x128xf32, #tpu.memory_space<hbm>>
      %dma_wait3A_20 = tpu.memref_squeeze %dma_wait3A_19 : memref<1x640x128xf32, #tpu.memory_space<hbm>> -> memref<640x128xf32, #tpu.memory_space<hbm>>
      %dma_wait3A_21 = arith.constant 0 : i32
      %dma_wait3A_22 = tpu.memref_slice %arg10[%mul3A_12, %dma_wait3A_21] : memref<10240x128xf32, #tpu.memory_space<vmem_shared>> -> memref<640x128xf32, #tpu.memory_space<vmem_shared>>
      tpu.wait_dma2 semaphore(%run_scoped3A : memref<!tpu.dma_semaphore, #tpu.memory_space<semaphore_mem>>) src(%dma_wait3A_22 : memref<640x128xf32, #tpu.memory_space<vmem_shared>>) dst(%dma_wait3A_20 : memref<640x128xf32, #tpu.memory_space<hbm>>)
      tpu.yield
    }) : () -> ()
    return
  }
}

#map = affine_map<(d0, d1) -> (0, 0)>
#map1 = affine_map<(d0, d1) -> (0, 0, 0)>
module attributes {stable_mosaic.version = 14 : i64} {
  func.func @k(%arg0: i32, %arg1: i32, %arg2: memref<5120x64xi32, #tpu.memory_space<hbm>>, %arg3: memref<5120x64xi32, #tpu.memory_space<hbm>>, %arg4: memref<10240x128xf32, #tpu.memory_space<hbm>>, %arg5: memref<10240x128xf32, #tpu.memory_space<hbm>>, %arg6: memref<2x10240x128xf32, #tpu.memory_space<hbm>>, %arg7: memref<32x64xi32, #tpu.memory_space<vmem>>, %arg8: memref<32x64xi32, #tpu.memory_space<vmem>>, %arg9: memref<4x64x128xf32, #tpu.memory_space<vmem>>, %arg10: memref<10240x128xf32, #tpu.memory_space<vmem_shared>>, %arg11: memref<!tpu.dma_semaphore, #tpu.memory_space<semaphore_mem>>, %arg12: memref<!tpu.dma_semaphore, #tpu.memory_space<semaphore_mem>>, %arg13: memref<!tpu.dma_semaphore, #tpu.memory_space<semaphore_mem>>, %arg14: memref<!tpu.dma_semaphore, #tpu.memory_space<semaphore_mem>>) attributes {dimension_semantics = [#tpu.dimension_semantics<core_parallel>, #tpu.dimension_semantics<subcore_parallel>], iteration_bounds = array<i64: 2, 16>, scalar_prefetch = 0 : i64, scratch_operands = 8 : i64, tpu.core_type = #tpu.core_type<sc_vector_subcore>, window_params = [{transform_indices = #map}, {transform_indices = #map}, {transform_indices = #map}, {transform_indices = #map}, {transform_indices = #map1}]} {
    %mul3A = arith.constant 2 : i32
    %mul3A_0 = arith.muli %arg1, %mul3A : i32
    %add3A = arith.addi %mul3A_0, %arg0 : i32
    %mul3A_1 = arith.constant 640 : i32
    %mul3A_2 = arith.muli %arg1, %mul3A_1 : i32
    %mul3A_3 = arith.constant 640 : i32
    %mul3A_4 = arith.muli %arg1, %mul3A_3 : i32
    "tpu.region"() ({
      %run_scoped3A = tpu.sem_alloc : memref<!tpu.dma_semaphore, #tpu.memory_space<semaphore_mem>>
      %dma_start3A = arith.constant 0 : i32
      %dma_start3A_15 = tpu.memref_slice %arg10[%mul3A_4, %dma_start3A] : memref<10240x128xf32, #tpu.memory_space<vmem_shared>> -> memref<640x128xf32, #tpu.memory_space<vmem_shared>>
      %dma_start3A_16 = arith.constant 0 : i32
      %dma_start3A_17 = tpu.memref_slice %arg5[%mul3A_2, %dma_start3A_16] : memref<10240x128xf32, #tpu.memory_space<hbm>> -> memref<640x128xf32, #tpu.memory_space<hbm>>
      tpu.enqueue_dma source(%dma_start3A_17 : memref<640x128xf32, #tpu.memory_space<hbm>>) target(%dma_start3A_15 : memref<640x128xf32, #tpu.memory_space<vmem_shared>>) target_semaphore(%run_scoped3A : memref<!tpu.dma_semaphore, #tpu.memory_space<semaphore_mem>>)
      %dma_wait3A = arith.constant 0 : i32
      %dma_wait3A_18 = tpu.memref_slice %arg10[%mul3A_4, %dma_wait3A] : memref<10240x128xf32, #tpu.memory_space<vmem_shared>> -> memref<640x128xf32, #tpu.memory_space<vmem_shared>>
      %dma_wait3A_19 = arith.constant 0 : i32
      %dma_wait3A_20 = tpu.memref_slice %arg5[%mul3A_2, %dma_wait3A_19] : memref<10240x128xf32, #tpu.memory_space<hbm>> -> memref<640x128xf32, #tpu.memory_space<hbm>>
      tpu.wait_dma2 semaphore(%run_scoped3A : memref<!tpu.dma_semaphore, #tpu.memory_space<semaphore_mem>>) src(%dma_wait3A_20 : memref<640x128xf32, #tpu.memory_space<hbm>>) dst(%dma_wait3A_18 : memref<640x128xf32, #tpu.memory_space<vmem_shared>>)
      tpu.yield
    }) : () -> ()
    %barrier3A = arith.constant 0 : index
    tpu.barrier barrier_id(%barrier3A)
    %scan3A = arith.constant 0 : i32
    %scan3A_5 = arith.constant 0 : i32
    %scan3A_6 = arith.constant 5 : i32
    %scan3A_7 = arith.addi %scan3A_5, %scan3A_6 : i32
    %scan3A_8 = arith.constant 1 : i32
    scf.for %scan3A_15 = %scan3A_5 to %scan3A_7 step %scan3A_8  : i32 {
      %mul3A_16 = arith.constant 160 : i32
      %mul3A_17 = arith.muli %add3A, %mul3A_16 : i32
      %mul3A_18 = arith.constant 32 : i32
      %mul3A_19 = arith.muli %scan3A_15, %mul3A_18 : i32
      %add3A_20 = arith.addi %mul3A_17, %mul3A_19 : i32
      "tpu.region"() ({
        %run_scoped3A = tpu.sem_alloc : memref<!tpu.dma_semaphore, #tpu.memory_space<semaphore_mem>>
        %dma_start3A_74 = arith.constant 0 : i32
        %dma_start3A_75 = tpu.memref_slice %arg2[%add3A_20, %dma_start3A_74] : memref<5120x64xi32, #tpu.memory_space<hbm>> -> memref<32x64xi32, #tpu.memory_space<hbm>>
        %dma_start3A_76 = arith.constant 0 : i32
        %dma_start3A_77 = tpu.memref_slice %arg2[%add3A_20, %dma_start3A_76] : memref<5120x64xi32, #tpu.memory_space<hbm>> -> memref<32x64xi32, #tpu.memory_space<hbm>>
        tpu.enqueue_dma source(%dma_start3A_77 : memref<32x64xi32, #tpu.memory_space<hbm>>) target(%arg7 : memref<32x64xi32, #tpu.memory_space<vmem>>) target_semaphore(%run_scoped3A : memref<!tpu.dma_semaphore, #tpu.memory_space<semaphore_mem>>)
        %dma_wait3A = arith.constant 0 : i32
        %dma_wait3A_78 = tpu.memref_slice %arg2[%add3A_20, %dma_wait3A] : memref<5120x64xi32, #tpu.memory_space<hbm>> -> memref<32x64xi32, #tpu.memory_space<hbm>>
        %dma_wait3A_79 = arith.constant 0 : i32
        %dma_wait3A_80 = tpu.memref_slice %arg2[%add3A_20, %dma_wait3A_79] : memref<5120x64xi32, #tpu.memory_space<hbm>> -> memref<32x64xi32, #tpu.memory_space<hbm>>
        tpu.wait_dma2 semaphore(%run_scoped3A : memref<!tpu.dma_semaphore, #tpu.memory_space<semaphore_mem>>) src(%dma_wait3A_80 : memref<32x64xi32, #tpu.memory_space<hbm>>) dst(%arg7 : memref<32x64xi32, #tpu.memory_space<vmem>>)
        tpu.yield
      }) : () -> ()
      "tpu.region"() ({
        %run_scoped3A = tpu.sem_alloc : memref<!tpu.dma_semaphore, #tpu.memory_space<semaphore_mem>>
        %dma_start3A_74 = arith.constant 0 : i32
        %dma_start3A_75 = tpu.memref_slice %arg3[%add3A_20, %dma_start3A_74] : memref<5120x64xi32, #tpu.memory_space<hbm>> -> memref<32x64xi32, #tpu.memory_space<hbm>>
        %dma_start3A_76 = arith.constant 0 : i32
        %dma_start3A_77 = tpu.memref_slice %arg3[%add3A_20, %dma_start3A_76] : memref<5120x64xi32, #tpu.memory_space<hbm>> -> memref<32x64xi32, #tpu.memory_space<hbm>>
        tpu.enqueue_dma source(%dma_start3A_77 : memref<32x64xi32, #tpu.memory_space<hbm>>) target(%arg8 : memref<32x64xi32, #tpu.memory_space<vmem>>) target_semaphore(%run_scoped3A : memref<!tpu.dma_semaphore, #tpu.memory_space<semaphore_mem>>)
        %dma_wait3A = arith.constant 0 : i32
        %dma_wait3A_78 = tpu.memref_slice %arg3[%add3A_20, %dma_wait3A] : memref<5120x64xi32, #tpu.memory_space<hbm>> -> memref<32x64xi32, #tpu.memory_space<hbm>>
        %dma_wait3A_79 = arith.constant 0 : i32
        %dma_wait3A_80 = tpu.memref_slice %arg3[%add3A_20, %dma_wait3A_79] : memref<5120x64xi32, #tpu.memory_space<hbm>> -> memref<32x64xi32, #tpu.memory_space<hbm>>
        tpu.wait_dma2 semaphore(%run_scoped3A : memref<!tpu.dma_semaphore, #tpu.memory_space<semaphore_mem>>) src(%dma_wait3A_80 : memref<32x64xi32, #tpu.memory_space<hbm>>) dst(%arg8 : memref<32x64xi32, #tpu.memory_space<vmem>>)
        tpu.yield
      }) : () -> ()
      %dma_start3A = arith.constant 0 : i32
      %dma_start3A_21 = arith.constant 0 : i32
      %dma_start3A_22 = arith.constant 0 : i32
      %dma_start3A_23 = arith.constant 0 : i32
      %dma_start3A_24 = tpu.memref_slice %arg9[%dma_start3A_21, %dma_start3A_22, %dma_start3A_23] : memref<4x64x128xf32, #tpu.memory_space<vmem>> -> memref<1x64x128xf32, #tpu.memory_space<vmem>>
      %dma_start3A_25 = tpu.memref_squeeze %dma_start3A_24 : memref<1x64x128xf32, #tpu.memory_space<vmem>> -> memref<64x128xf32, #tpu.memory_space<vmem>>
      %dma_start3A_26 = arith.constant 0 : i32
      %dma_start3A_27 = tpu.memref_slice %arg7[%dma_start3A, %dma_start3A_26] : memref<32x64xi32, #tpu.memory_space<vmem>> -> memref<1x64xi32, #tpu.memory_space<vmem>>
      %dma_start3A_28 = tpu.memref_squeeze %dma_start3A_27 : memref<1x64xi32, #tpu.memory_space<vmem>> -> memref<64xi32, #tpu.memory_space<vmem>>
      %dma_start3A_29 = arith.constant 0 : i32
      %dma_start3A_30 = arith.constant 0 : i32
      %dma_start3A_31 = tpu.memref_slice %arg4[%dma_start3A_29, %dma_start3A_30] : memref<10240x128xf32, #tpu.memory_space<hbm>> -> memref<10240x128xf32, #tpu.memory_space<hbm>>
      tpu.enqueue_indirect_dma source(%dma_start3A_31 : memref<10240x128xf32, #tpu.memory_space<hbm>>) target(%dma_start3A_25 : memref<64x128xf32, #tpu.memory_space<vmem>>) offsets(%dma_start3A_28 : memref<64xi32, #tpu.memory_space<vmem>>) semaphore(%arg11 : memref<!tpu.dma_semaphore, #tpu.memory_space<semaphore_mem>>)
      %dma_start3A_32 = arith.constant 1 : i32
      %dma_start3A_33 = arith.constant 1 : i32
      %dma_start3A_34 = arith.constant 0 : i32
      %dma_start3A_35 = arith.constant 0 : i32
      %dma_start3A_36 = tpu.memref_slice %arg9[%dma_start3A_33, %dma_start3A_34, %dma_start3A_35] : memref<4x64x128xf32, #tpu.memory_space<vmem>> -> memref<1x64x128xf32, #tpu.memory_space<vmem>>
      %dma_start3A_37 = tpu.memref_squeeze %dma_start3A_36 : memref<1x64x128xf32, #tpu.memory_space<vmem>> -> memref<64x128xf32, #tpu.memory_space<vmem>>
      %dma_start3A_38 = arith.constant 0 : i32
      %dma_start3A_39 = tpu.memref_slice %arg7[%dma_start3A_32, %dma_start3A_38] : memref<32x64xi32, #tpu.memory_space<vmem>> -> memref<1x64xi32, #tpu.memory_space<vmem>>
      %dma_start3A_40 = tpu.memref_squeeze %dma_start3A_39 : memref<1x64xi32, #tpu.memory_space<vmem>> -> memref<64xi32, #tpu.memory_space<vmem>>
      %dma_start3A_41 = arith.constant 0 : i32
      %dma_start3A_42 = arith.constant 0 : i32
      %dma_start3A_43 = tpu.memref_slice %arg4[%dma_start3A_41, %dma_start3A_42] : memref<10240x128xf32, #tpu.memory_space<hbm>> -> memref<10240x128xf32, #tpu.memory_space<hbm>>
      tpu.enqueue_indirect_dma source(%dma_start3A_43 : memref<10240x128xf32, #tpu.memory_space<hbm>>) target(%dma_start3A_37 : memref<64x128xf32, #tpu.memory_space<vmem>>) offsets(%dma_start3A_40 : memref<64xi32, #tpu.memory_space<vmem>>) semaphore(%arg12 : memref<!tpu.dma_semaphore, #tpu.memory_space<semaphore_mem>>)
      %dma_start3A_44 = arith.constant 2 : i32
      %dma_start3A_45 = arith.constant 2 : i32
      %dma_start3A_46 = arith.constant 0 : i32
      %dma_start3A_47 = arith.constant 0 : i32
      %dma_start3A_48 = tpu.memref_slice %arg9[%dma_start3A_45, %dma_start3A_46, %dma_start3A_47] : memref<4x64x128xf32, #tpu.memory_space<vmem>> -> memref<1x64x128xf32, #tpu.memory_space<vmem>>
      %dma_start3A_49 = tpu.memref_squeeze %dma_start3A_48 : memref<1x64x128xf32, #tpu.memory_space<vmem>> -> memref<64x128xf32, #tpu.memory_space<vmem>>
      %dma_start3A_50 = arith.constant 0 : i32
      %dma_start3A_51 = tpu.memref_slice %arg7[%dma_start3A_44, %dma_start3A_50] : memref<32x64xi32, #tpu.memory_space<vmem>> -> memref<1x64xi32, #tpu.memory_space<vmem>>
      %dma_start3A_52 = tpu.memref_squeeze %dma_start3A_51 : memref<1x64xi32, #tpu.memory_space<vmem>> -> memref<64xi32, #tpu.memory_space<vmem>>
      %dma_start3A_53 = arith.constant 0 : i32
      %dma_start3A_54 = arith.constant 0 : i32
      %dma_start3A_55 = tpu.memref_slice %arg4[%dma_start3A_53, %dma_start3A_54] : memref<10240x128xf32, #tpu.memory_space<hbm>> -> memref<10240x128xf32, #tpu.memory_space<hbm>>
      tpu.enqueue_indirect_dma source(%dma_start3A_55 : memref<10240x128xf32, #tpu.memory_space<hbm>>) target(%dma_start3A_49 : memref<64x128xf32, #tpu.memory_space<vmem>>) offsets(%dma_start3A_52 : memref<64xi32, #tpu.memory_space<vmem>>) semaphore(%arg13 : memref<!tpu.dma_semaphore, #tpu.memory_space<semaphore_mem>>)
      %dma_start3A_56 = arith.constant 3 : i32
      %dma_start3A_57 = arith.constant 3 : i32
      %dma_start3A_58 = arith.constant 0 : i32
      %dma_start3A_59 = arith.constant 0 : i32
      %dma_start3A_60 = tpu.memref_slice %arg9[%dma_start3A_57, %dma_start3A_58, %dma_start3A_59] : memref<4x64x128xf32, #tpu.memory_space<vmem>> -> memref<1x64x128xf32, #tpu.memory_space<vmem>>
      %dma_start3A_61 = tpu.memref_squeeze %dma_start3A_60 : memref<1x64x128xf32, #tpu.memory_space<vmem>> -> memref<64x128xf32, #tpu.memory_space<vmem>>
      %dma_start3A_62 = arith.constant 0 : i32
      %dma_start3A_63 = tpu.memref_slice %arg7[%dma_start3A_56, %dma_start3A_62] : memref<32x64xi32, #tpu.memory_space<vmem>> -> memref<1x64xi32, #tpu.memory_space<vmem>>
      %dma_start3A_64 = tpu.memref_squeeze %dma_start3A_63 : memref<1x64xi32, #tpu.memory_space<vmem>> -> memref<64xi32, #tpu.memory_space<vmem>>
      %dma_start3A_65 = arith.constant 0 : i32
      %dma_start3A_66 = arith.constant 0 : i32
      %dma_start3A_67 = tpu.memref_slice %arg4[%dma_start3A_65, %dma_start3A_66] : memref<10240x128xf32, #tpu.memory_space<hbm>> -> memref<10240x128xf32, #tpu.memory_space<hbm>>
      tpu.enqueue_indirect_dma source(%dma_start3A_67 : memref<10240x128xf32, #tpu.memory_space<hbm>>) target(%dma_start3A_61 : memref<64x128xf32, #tpu.memory_space<vmem>>) offsets(%dma_start3A_64 : memref<64xi32, #tpu.memory_space<vmem>>) semaphore(%arg14 : memref<!tpu.dma_semaphore, #tpu.memory_space<semaphore_mem>>)
      %scan3A_68 = arith.constant 0 : i32
      %scan3A_69 = arith.constant 0 : i32
      %scan3A_70 = arith.constant 8 : i32
      %scan3A_71 = arith.addi %scan3A_69, %scan3A_70 : i32
      %scan3A_72 = arith.constant 1 : i32
      scf.for %scan3A_74 = %scan3A_69 to %scan3A_71 step %scan3A_72  : i32 {
        %mul3A_75 = arith.constant 4 : i32
        %mul3A_76 = arith.muli %mul3A_75, %scan3A_74 : i32
        %add3A_77 = arith.constant 0 : i32
        %add3A_78 = arith.addi %mul3A_76, %add3A_77 : i32
        %dma_wait3A = arith.constant 0 : i32
        %dma_wait3A_79 = arith.constant 0 : i32
        %dma_wait3A_80 = arith.constant 0 : i32
        %dma_wait3A_81 = tpu.memref_slice %arg9[%dma_wait3A, %dma_wait3A_79, %dma_wait3A_80] : memref<4x64x128xf32, #tpu.memory_space<vmem>> -> memref<1x64x128xf32, #tpu.memory_space<vmem>>
        %dma_wait3A_82 = tpu.memref_squeeze %dma_wait3A_81 : memref<1x64x128xf32, #tpu.memory_space<vmem>> -> memref<64x128xf32, #tpu.memory_space<vmem>>
        %dma_wait3A_83 = arith.constant 0 : i32
        %dma_wait3A_84 = tpu.memref_slice %arg7[%add3A_78, %dma_wait3A_83] : memref<32x64xi32, #tpu.memory_space<vmem>> -> memref<1x64xi32, #tpu.memory_space<vmem>>
        %dma_wait3A_85 = tpu.memref_squeeze %dma_wait3A_84 : memref<1x64xi32, #tpu.memory_space<vmem>> -> memref<64xi32, #tpu.memory_space<vmem>>
        %dma_wait3A_86 = arith.constant 0 : i32
        %dma_wait3A_87 = arith.constant 0 : i32
        %dma_wait3A_88 = tpu.memref_slice %arg4[%dma_wait3A_86, %dma_wait3A_87] : memref<10240x128xf32, #tpu.memory_space<hbm>> -> memref<10240x128xf32, #tpu.memory_space<hbm>>
        tpu.wait_indirect_dma semaphore(%arg11 : memref<!tpu.dma_semaphore, #tpu.memory_space<semaphore_mem>>) src(%dma_wait3A_88 : memref<10240x128xf32, #tpu.memory_space<hbm>>) dst(%dma_wait3A_82 : memref<64x128xf32, #tpu.memory_space<vmem>>)
        %run_scoped3A = arith.constant 0 : i32
        "tpu.region"() ({
          %run_scoped3A_162 = tpu.sem_alloc : memref<!tpu.dma_semaphore, #tpu.memory_space<semaphore_mem>>
          %dma_start3A_163 = arith.constant 0 : i32
          %dma_start3A_164 = arith.constant 0 : i32
          %dma_start3A_165 = tpu.memref_slice %arg9[%run_scoped3A, %dma_start3A_163, %dma_start3A_164] : memref<4x64x128xf32, #tpu.memory_space<vmem>> -> memref<1x64x128xf32, #tpu.memory_space<vmem>>
          %dma_start3A_166 = tpu.memref_squeeze %dma_start3A_165 : memref<1x64x128xf32, #tpu.memory_space<vmem>> -> memref<64x128xf32, #tpu.memory_space<vmem>>
          %dma_start3A_167 = arith.constant 0 : i32
          %dma_start3A_168 = tpu.memref_slice %arg8[%add3A_78, %dma_start3A_167] : memref<32x64xi32, #tpu.memory_space<vmem>> -> memref<1x64xi32, #tpu.memory_space<vmem>>
          %dma_start3A_169 = tpu.memref_squeeze %dma_start3A_168 : memref<1x64xi32, #tpu.memory_space<vmem>> -> memref<64xi32, #tpu.memory_space<vmem>>
          %dma_start3A_170 = arith.constant 0 : i32
          %dma_start3A_171 = arith.constant 0 : i32
          %dma_start3A_172 = tpu.memref_slice %arg10[%dma_start3A_170, %dma_start3A_171] : memref<10240x128xf32, #tpu.memory_space<vmem_shared>> -> memref<10240x128xf32, #tpu.memory_space<vmem_shared>>
          tpu.enqueue_indirect_dma source(%dma_start3A_166 : memref<64x128xf32, #tpu.memory_space<vmem>>) target(%dma_start3A_172 : memref<10240x128xf32, #tpu.memory_space<vmem_shared>>) offsets(%dma_start3A_169 : memref<64xi32, #tpu.memory_space<vmem>>) semaphore(%run_scoped3A_162 : memref<!tpu.dma_semaphore, #tpu.memory_space<semaphore_mem>>) {add = true}
          %dma_wait3A_173 = arith.constant 0 : i32
          %dma_wait3A_174 = arith.constant 0 : i32
          %dma_wait3A_175 = tpu.memref_slice %arg9[%run_scoped3A, %dma_wait3A_173, %dma_wait3A_174] : memref<4x64x128xf32, #tpu.memory_space<vmem>> -> memref<1x64x128xf32, #tpu.memory_space<vmem>>
          %dma_wait3A_176 = tpu.memref_squeeze %dma_wait3A_175 : memref<1x64x128xf32, #tpu.memory_space<vmem>> -> memref<64x128xf32, #tpu.memory_space<vmem>>
          %dma_wait3A_177 = arith.constant 0 : i32
          %dma_wait3A_178 = tpu.memref_slice %arg8[%add3A_78, %dma_wait3A_177] : memref<32x64xi32, #tpu.memory_space<vmem>> -> memref<1x64xi32, #tpu.memory_space<vmem>>
          %dma_wait3A_179 = tpu.memref_squeeze %dma_wait3A_178 : memref<1x64xi32, #tpu.memory_space<vmem>> -> memref<64xi32, #tpu.memory_space<vmem>>
          %dma_wait3A_180 = arith.constant 0 : i32
          %dma_wait3A_181 = arith.constant 0 : i32
          %dma_wait3A_182 = tpu.memref_slice %arg10[%dma_wait3A_180, %dma_wait3A_181] : memref<10240x128xf32, #tpu.memory_space<vmem_shared>> -> memref<10240x128xf32, #tpu.memory_space<vmem_shared>>
          tpu.wait_indirect_dma semaphore(%run_scoped3A_162 : memref<!tpu.dma_semaphore, #tpu.memory_space<semaphore_mem>>) src(%dma_wait3A_176 : memref<64x128xf32, #tpu.memory_space<vmem>>) dst(%dma_wait3A_182 : memref<10240x128xf32, #tpu.memory_space<vmem_shared>>)
          tpu.yield
        }) : () -> ()
        %add3A_89 = arith.constant 4 : i32
        %add3A_90 = arith.addi %add3A_78, %add3A_89 : i32
        %lt3A = arith.constant 32 : i32
        %lt3A_91 = arith.cmpi slt, %add3A_90, %lt3A : i32
        %convert_element_type3A = arith.extui %lt3A_91 : i1 to i32
        %cond3A = arith.constant 0 : i32
        %cond3A_92 = arith.cmpi ne, %convert_element_type3A, %cond3A : i32
        scf.if %cond3A_92 {
          %add3A_162 = arith.constant 4 : i32
          %add3A_163 = arith.addi %add3A_78, %add3A_162 : i32
          %dma_start3A_164 = arith.constant 0 : i32
          %dma_start3A_165 = arith.constant 0 : i32
          %dma_start3A_166 = arith.constant 0 : i32
          %dma_start3A_167 = tpu.memref_slice %arg9[%dma_start3A_164, %dma_start3A_165, %dma_start3A_166] : memref<4x64x128xf32, #tpu.memory_space<vmem>> -> memref<1x64x128xf32, #tpu.memory_space<vmem>>
          %dma_start3A_168 = tpu.memref_squeeze %dma_start3A_167 : memref<1x64x128xf32, #tpu.memory_space<vmem>> -> memref<64x128xf32, #tpu.memory_space<vmem>>
          %dma_start3A_169 = arith.constant 0 : i32
          %dma_start3A_170 = tpu.memref_slice %arg7[%add3A_163, %dma_start3A_169] : memref<32x64xi32, #tpu.memory_space<vmem>> -> memref<1x64xi32, #tpu.memory_space<vmem>>
          %dma_start3A_171 = tpu.memref_squeeze %dma_start3A_170 : memref<1x64xi32, #tpu.memory_space<vmem>> -> memref<64xi32, #tpu.memory_space<vmem>>
          %dma_start3A_172 = arith.constant 0 : i32
          %dma_start3A_173 = arith.constant 0 : i32
          %dma_start3A_174 = tpu.memref_slice %arg4[%dma_start3A_172, %dma_start3A_173] : memref<10240x128xf32, #tpu.memory_space<hbm>> -> memref<10240x128xf32, #tpu.memory_space<hbm>>
          tpu.enqueue_indirect_dma source(%dma_start3A_174 : memref<10240x128xf32, #tpu.memory_space<hbm>>) target(%dma_start3A_168 : memref<64x128xf32, #tpu.memory_space<vmem>>) offsets(%dma_start3A_171 : memref<64xi32, #tpu.memory_space<vmem>>) semaphore(%arg11 : memref<!tpu.dma_semaphore, #tpu.memory_space<semaphore_mem>>)
        } else {
        }
        %mul3A_93 = arith.constant 4 : i32
        %mul3A_94 = arith.muli %mul3A_93, %scan3A_74 : i32
        %add3A_95 = arith.constant 1 : i32
        %add3A_96 = arith.addi %mul3A_94, %add3A_95 : i32
        %dma_wait3A_97 = arith.constant 1 : i32
        %dma_wait3A_98 = arith.constant 0 : i32
        %dma_wait3A_99 = arith.constant 0 : i32
        %dma_wait3A_100 = tpu.memref_slice %arg9[%dma_wait3A_97, %dma_wait3A_98, %dma_wait3A_99] : memref<4x64x128xf32, #tpu.memory_space<vmem>> -> memref<1x64x128xf32, #tpu.memory_space<vmem>>
        %dma_wait3A_101 = tpu.memref_squeeze %dma_wait3A_100 : memref<1x64x128xf32, #tpu.memory_space<vmem>> -> memref<64x128xf32, #tpu.memory_space<vmem>>
        %dma_wait3A_102 = arith.constant 0 : i32
        %dma_wait3A_103 = tpu.memref_slice %arg7[%add3A_96, %dma_wait3A_102] : memref<32x64xi32, #tpu.memory_space<vmem>> -> memref<1x64xi32, #tpu.memory_space<vmem>>
        %dma_wait3A_104 = tpu.memref_squeeze %dma_wait3A_103 : memref<1x64xi32, #tpu.memory_space<vmem>> -> memref<64xi32, #tpu.memory_space<vmem>>
        %dma_wait3A_105 = arith.constant 0 : i32
        %dma_wait3A_106 = arith.constant 0 : i32
        %dma_wait3A_107 = tpu.memref_slice %arg4[%dma_wait3A_105, %dma_wait3A_106] : memref<10240x128xf32, #tpu.memory_space<hbm>> -> memref<10240x128xf32, #tpu.memory_space<hbm>>
        tpu.wait_indirect_dma semaphore(%arg12 : memref<!tpu.dma_semaphore, #tpu.memory_space<semaphore_mem>>) src(%dma_wait3A_107 : memref<10240x128xf32, #tpu.memory_space<hbm>>) dst(%dma_wait3A_101 : memref<64x128xf32, #tpu.memory_space<vmem>>)
        %run_scoped3A_108 = arith.constant 1 : i32
        "tpu.region"() ({
          %run_scoped3A_162 = tpu.sem_alloc : memref<!tpu.dma_semaphore, #tpu.memory_space<semaphore_mem>>
          %dma_start3A_163 = arith.constant 0 : i32
          %dma_start3A_164 = arith.constant 0 : i32
          %dma_start3A_165 = tpu.memref_slice %arg9[%run_scoped3A_108, %dma_start3A_163, %dma_start3A_164] : memref<4x64x128xf32, #tpu.memory_space<vmem>> -> memref<1x64x128xf32, #tpu.memory_space<vmem>>
          %dma_start3A_166 = tpu.memref_squeeze %dma_start3A_165 : memref<1x64x128xf32, #tpu.memory_space<vmem>> -> memref<64x128xf32, #tpu.memory_space<vmem>>
          %dma_start3A_167 = arith.constant 0 : i32
          %dma_start3A_168 = tpu.memref_slice %arg8[%add3A_96, %dma_start3A_167] : memref<32x64xi32, #tpu.memory_space<vmem>> -> memref<1x64xi32, #tpu.memory_space<vmem>>
          %dma_start3A_169 = tpu.memref_squeeze %dma_start3A_168 : memref<1x64xi32, #tpu.memory_space<vmem>> -> memref<64xi32, #tpu.memory_space<vmem>>
          %dma_start3A_170 = arith.constant 0 : i32
          %dma_start3A_171 = arith.constant 0 : i32
          %dma_start3A_172 = tpu.memref_slice %arg10[%dma_start3A_170, %dma_start3A_171] : memref<10240x128xf32, #tpu.memory_space<vmem_shared>> -> memref<10240x128xf32, #tpu.memory_space<vmem_shared>>
          tpu.enqueue_indirect_dma source(%dma_start3A_166 : memref<64x128xf32, #tpu.memory_space<vmem>>) target(%dma_start3A_172 : memref<10240x128xf32, #tpu.memory_space<vmem_shared>>) offsets(%dma_start3A_169 : memref<64xi32, #tpu.memory_space<vmem>>) semaphore(%run_scoped3A_162 : memref<!tpu.dma_semaphore, #tpu.memory_space<semaphore_mem>>) {add = true}
          %dma_wait3A_173 = arith.constant 0 : i32
          %dma_wait3A_174 = arith.constant 0 : i32
          %dma_wait3A_175 = tpu.memref_slice %arg9[%run_scoped3A_108, %dma_wait3A_173, %dma_wait3A_174] : memref<4x64x128xf32, #tpu.memory_space<vmem>> -> memref<1x64x128xf32, #tpu.memory_space<vmem>>
          %dma_wait3A_176 = tpu.memref_squeeze %dma_wait3A_175 : memref<1x64x128xf32, #tpu.memory_space<vmem>> -> memref<64x128xf32, #tpu.memory_space<vmem>>
          %dma_wait3A_177 = arith.constant 0 : i32
          %dma_wait3A_178 = tpu.memref_slice %arg8[%add3A_96, %dma_wait3A_177] : memref<32x64xi32, #tpu.memory_space<vmem>> -> memref<1x64xi32, #tpu.memory_space<vmem>>
          %dma_wait3A_179 = tpu.memref_squeeze %dma_wait3A_178 : memref<1x64xi32, #tpu.memory_space<vmem>> -> memref<64xi32, #tpu.memory_space<vmem>>
          %dma_wait3A_180 = arith.constant 0 : i32
          %dma_wait3A_181 = arith.constant 0 : i32
          %dma_wait3A_182 = tpu.memref_slice %arg10[%dma_wait3A_180, %dma_wait3A_181] : memref<10240x128xf32, #tpu.memory_space<vmem_shared>> -> memref<10240x128xf32, #tpu.memory_space<vmem_shared>>
          tpu.wait_indirect_dma semaphore(%run_scoped3A_162 : memref<!tpu.dma_semaphore, #tpu.memory_space<semaphore_mem>>) src(%dma_wait3A_176 : memref<64x128xf32, #tpu.memory_space<vmem>>) dst(%dma_wait3A_182 : memref<10240x128xf32, #tpu.memory_space<vmem_shared>>)
          tpu.yield
        }) : () -> ()
        %add3A_109 = arith.constant 4 : i32
        %add3A_110 = arith.addi %add3A_96, %add3A_109 : i32
        %lt3A_111 = arith.constant 32 : i32
        %lt3A_112 = arith.cmpi slt, %add3A_110, %lt3A_111 : i32
        %convert_element_type3A_113 = arith.extui %lt3A_112 : i1 to i32
        %cond3A_114 = arith.constant 0 : i32
        %cond3A_115 = arith.cmpi ne, %convert_element_type3A_113, %cond3A_114 : i32
        scf.if %cond3A_115 {
          %add3A_162 = arith.constant 4 : i32
          %add3A_163 = arith.addi %add3A_96, %add3A_162 : i32
          %dma_start3A_164 = arith.constant 1 : i32
          %dma_start3A_165 = arith.constant 0 : i32
          %dma_start3A_166 = arith.constant 0 : i32
          %dma_start3A_167 = tpu.memref_slice %arg9[%dma_start3A_164, %dma_start3A_165, %dma_start3A_166] : memref<4x64x128xf32, #tpu.memory_space<vmem>> -> memref<1x64x128xf32, #tpu.memory_space<vmem>>
          %dma_start3A_168 = tpu.memref_squeeze %dma_start3A_167 : memref<1x64x128xf32, #tpu.memory_space<vmem>> -> memref<64x128xf32, #tpu.memory_space<vmem>>
          %dma_start3A_169 = arith.constant 0 : i32
          %dma_start3A_170 = tpu.memref_slice %arg7[%add3A_163, %dma_start3A_169] : memref<32x64xi32, #tpu.memory_space<vmem>> -> memref<1x64xi32, #tpu.memory_space<vmem>>
          %dma_start3A_171 = tpu.memref_squeeze %dma_start3A_170 : memref<1x64xi32, #tpu.memory_space<vmem>> -> memref<64xi32, #tpu.memory_space<vmem>>
          %dma_start3A_172 = arith.constant 0 : i32
          %dma_start3A_173 = arith.constant 0 : i32
          %dma_start3A_174 = tpu.memref_slice %arg4[%dma_start3A_172, %dma_start3A_173] : memref<10240x128xf32, #tpu.memory_space<hbm>> -> memref<10240x128xf32, #tpu.memory_space<hbm>>
          tpu.enqueue_indirect_dma source(%dma_start3A_174 : memref<10240x128xf32, #tpu.memory_space<hbm>>) target(%dma_start3A_168 : memref<64x128xf32, #tpu.memory_space<vmem>>) offsets(%dma_start3A_171 : memref<64xi32, #tpu.memory_space<vmem>>) semaphore(%arg12 : memref<!tpu.dma_semaphore, #tpu.memory_space<semaphore_mem>>)
        } else {
        }
        %mul3A_116 = arith.constant 4 : i32
        %mul3A_117 = arith.muli %mul3A_116, %scan3A_74 : i32
        %add3A_118 = arith.constant 2 : i32
        %add3A_119 = arith.addi %mul3A_117, %add3A_118 : i32
        %dma_wait3A_120 = arith.constant 2 : i32
        %dma_wait3A_121 = arith.constant 0 : i32
        %dma_wait3A_122 = arith.constant 0 : i32
        %dma_wait3A_123 = tpu.memref_slice %arg9[%dma_wait3A_120, %dma_wait3A_121, %dma_wait3A_122] : memref<4x64x128xf32, #tpu.memory_space<vmem>> -> memref<1x64x128xf32, #tpu.memory_space<vmem>>
        %dma_wait3A_124 = tpu.memref_squeeze %dma_wait3A_123 : memref<1x64x128xf32, #tpu.memory_space<vmem>> -> memref<64x128xf32, #tpu.memory_space<vmem>>
        %dma_wait3A_125 = arith.constant 0 : i32
        %dma_wait3A_126 = tpu.memref_slice %arg7[%add3A_119, %dma_wait3A_125] : memref<32x64xi32, #tpu.memory_space<vmem>> -> memref<1x64xi32, #tpu.memory_space<vmem>>
        %dma_wait3A_127 = tpu.memref_squeeze %dma_wait3A_126 : memref<1x64xi32, #tpu.memory_space<vmem>> -> memref<64xi32, #tpu.memory_space<vmem>>
        %dma_wait3A_128 = arith.constant 0 : i32
        %dma_wait3A_129 = arith.constant 0 : i32
        %dma_wait3A_130 = tpu.memref_slice %arg4[%dma_wait3A_128, %dma_wait3A_129] : memref<10240x128xf32, #tpu.memory_space<hbm>> -> memref<10240x128xf32, #tpu.memory_space<hbm>>
        tpu.wait_indirect_dma semaphore(%arg13 : memref<!tpu.dma_semaphore, #tpu.memory_space<semaphore_mem>>) src(%dma_wait3A_130 : memref<10240x128xf32, #tpu.memory_space<hbm>>) dst(%dma_wait3A_124 : memref<64x128xf32, #tpu.memory_space<vmem>>)
        %run_scoped3A_131 = arith.constant 2 : i32
        "tpu.region"() ({
          %run_scoped3A_162 = tpu.sem_alloc : memref<!tpu.dma_semaphore, #tpu.memory_space<semaphore_mem>>
          %dma_start3A_163 = arith.constant 0 : i32
          %dma_start3A_164 = arith.constant 0 : i32
          %dma_start3A_165 = tpu.memref_slice %arg9[%run_scoped3A_131, %dma_start3A_163, %dma_start3A_164] : memref<4x64x128xf32, #tpu.memory_space<vmem>> -> memref<1x64x128xf32, #tpu.memory_space<vmem>>
          %dma_start3A_166 = tpu.memref_squeeze %dma_start3A_165 : memref<1x64x128xf32, #tpu.memory_space<vmem>> -> memref<64x128xf32, #tpu.memory_space<vmem>>
          %dma_start3A_167 = arith.constant 0 : i32
          %dma_start3A_168 = tpu.memref_slice %arg8[%add3A_119, %dma_start3A_167] : memref<32x64xi32, #tpu.memory_space<vmem>> -> memref<1x64xi32, #tpu.memory_space<vmem>>
          %dma_start3A_169 = tpu.memref_squeeze %dma_start3A_168 : memref<1x64xi32, #tpu.memory_space<vmem>> -> memref<64xi32, #tpu.memory_space<vmem>>
          %dma_start3A_170 = arith.constant 0 : i32
          %dma_start3A_171 = arith.constant 0 : i32
          %dma_start3A_172 = tpu.memref_slice %arg10[%dma_start3A_170, %dma_start3A_171] : memref<10240x128xf32, #tpu.memory_space<vmem_shared>> -> memref<10240x128xf32, #tpu.memory_space<vmem_shared>>
          tpu.enqueue_indirect_dma source(%dma_start3A_166 : memref<64x128xf32, #tpu.memory_space<vmem>>) target(%dma_start3A_172 : memref<10240x128xf32, #tpu.memory_space<vmem_shared>>) offsets(%dma_start3A_169 : memref<64xi32, #tpu.memory_space<vmem>>) semaphore(%run_scoped3A_162 : memref<!tpu.dma_semaphore, #tpu.memory_space<semaphore_mem>>) {add = true}
          %dma_wait3A_173 = arith.constant 0 : i32
          %dma_wait3A_174 = arith.constant 0 : i32
          %dma_wait3A_175 = tpu.memref_slice %arg9[%run_scoped3A_131, %dma_wait3A_173, %dma_wait3A_174] : memref<4x64x128xf32, #tpu.memory_space<vmem>> -> memref<1x64x128xf32, #tpu.memory_space<vmem>>
          %dma_wait3A_176 = tpu.memref_squeeze %dma_wait3A_175 : memref<1x64x128xf32, #tpu.memory_space<vmem>> -> memref<64x128xf32, #tpu.memory_space<vmem>>
          %dma_wait3A_177 = arith.constant 0 : i32
          %dma_wait3A_178 = tpu.memref_slice %arg8[%add3A_119, %dma_wait3A_177] : memref<32x64xi32, #tpu.memory_space<vmem>> -> memref<1x64xi32, #tpu.memory_space<vmem>>
          %dma_wait3A_179 = tpu.memref_squeeze %dma_wait3A_178 : memref<1x64xi32, #tpu.memory_space<vmem>> -> memref<64xi32, #tpu.memory_space<vmem>>
          %dma_wait3A_180 = arith.constant 0 : i32
          %dma_wait3A_181 = arith.constant 0 : i32
          %dma_wait3A_182 = tpu.memref_slice %arg10[%dma_wait3A_180, %dma_wait3A_181] : memref<10240x128xf32, #tpu.memory_space<vmem_shared>> -> memref<10240x128xf32, #tpu.memory_space<vmem_shared>>
          tpu.wait_indirect_dma semaphore(%run_scoped3A_162 : memref<!tpu.dma_semaphore, #tpu.memory_space<semaphore_mem>>) src(%dma_wait3A_176 : memref<64x128xf32, #tpu.memory_space<vmem>>) dst(%dma_wait3A_182 : memref<10240x128xf32, #tpu.memory_space<vmem_shared>>)
          tpu.yield
        }) : () -> ()
        %add3A_132 = arith.constant 4 : i32
        %add3A_133 = arith.addi %add3A_119, %add3A_132 : i32
        %lt3A_134 = arith.constant 32 : i32
        %lt3A_135 = arith.cmpi slt, %add3A_133, %lt3A_134 : i32
        %convert_element_type3A_136 = arith.extui %lt3A_135 : i1 to i32
        %cond3A_137 = arith.constant 0 : i32
        %cond3A_138 = arith.cmpi ne, %convert_element_type3A_136, %cond3A_137 : i32
        scf.if %cond3A_138 {
          %add3A_162 = arith.constant 4 : i32
          %add3A_163 = arith.addi %add3A_119, %add3A_162 : i32
          %dma_start3A_164 = arith.constant 2 : i32
          %dma_start3A_165 = arith.constant 0 : i32
          %dma_start3A_166 = arith.constant 0 : i32
          %dma_start3A_167 = tpu.memref_slice %arg9[%dma_start3A_164, %dma_start3A_165, %dma_start3A_166] : memref<4x64x128xf32, #tpu.memory_space<vmem>> -> memref<1x64x128xf32, #tpu.memory_space<vmem>>
          %dma_start3A_168 = tpu.memref_squeeze %dma_start3A_167 : memref<1x64x128xf32, #tpu.memory_space<vmem>> -> memref<64x128xf32, #tpu.memory_space<vmem>>
          %dma_start3A_169 = arith.constant 0 : i32
          %dma_start3A_170 = tpu.memref_slice %arg7[%add3A_163, %dma_start3A_169] : memref<32x64xi32, #tpu.memory_space<vmem>> -> memref<1x64xi32, #tpu.memory_space<vmem>>
          %dma_start3A_171 = tpu.memref_squeeze %dma_start3A_170 : memref<1x64xi32, #tpu.memory_space<vmem>> -> memref<64xi32, #tpu.memory_space<vmem>>
          %dma_start3A_172 = arith.constant 0 : i32
          %dma_start3A_173 = arith.constant 0 : i32
          %dma_start3A_174 = tpu.memref_slice %arg4[%dma_start3A_172, %dma_start3A_173] : memref<10240x128xf32, #tpu.memory_space<hbm>> -> memref<10240x128xf32, #tpu.memory_space<hbm>>
          tpu.enqueue_indirect_dma source(%dma_start3A_174 : memref<10240x128xf32, #tpu.memory_space<hbm>>) target(%dma_start3A_168 : memref<64x128xf32, #tpu.memory_space<vmem>>) offsets(%dma_start3A_171 : memref<64xi32, #tpu.memory_space<vmem>>) semaphore(%arg13 : memref<!tpu.dma_semaphore, #tpu.memory_space<semaphore_mem>>)
        } else {
        }
        %mul3A_139 = arith.constant 4 : i32
        %mul3A_140 = arith.muli %mul3A_139, %scan3A_74 : i32
        %add3A_141 = arith.constant 3 : i32
        %add3A_142 = arith.addi %mul3A_140, %add3A_141 : i32
        %dma_wait3A_143 = arith.constant 3 : i32
        %dma_wait3A_144 = arith.constant 0 : i32
        %dma_wait3A_145 = arith.constant 0 : i32
        %dma_wait3A_146 = tpu.memref_slice %arg9[%dma_wait3A_143, %dma_wait3A_144, %dma_wait3A_145] : memref<4x64x128xf32, #tpu.memory_space<vmem>> -> memref<1x64x128xf32, #tpu.memory_space<vmem>>
        %dma_wait3A_147 = tpu.memref_squeeze %dma_wait3A_146 : memref<1x64x128xf32, #tpu.memory_space<vmem>> -> memref<64x128xf32, #tpu.memory_space<vmem>>
        %dma_wait3A_148 = arith.constant 0 : i32
        %dma_wait3A_149 = tpu.memref_slice %arg7[%add3A_142, %dma_wait3A_148] : memref<32x64xi32, #tpu.memory_space<vmem>> -> memref<1x64xi32, #tpu.memory_space<vmem>>
        %dma_wait3A_150 = tpu.memref_squeeze %dma_wait3A_149 : memref<1x64xi32, #tpu.memory_space<vmem>> -> memref<64xi32, #tpu.memory_space<vmem>>
        %dma_wait3A_151 = arith.constant 0 : i32
        %dma_wait3A_152 = arith.constant 0 : i32
        %dma_wait3A_153 = tpu.memref_slice %arg4[%dma_wait3A_151, %dma_wait3A_152] : memref<10240x128xf32, #tpu.memory_space<hbm>> -> memref<10240x128xf32, #tpu.memory_space<hbm>>
        tpu.wait_indirect_dma semaphore(%arg14 : memref<!tpu.dma_semaphore, #tpu.memory_space<semaphore_mem>>) src(%dma_wait3A_153 : memref<10240x128xf32, #tpu.memory_space<hbm>>) dst(%dma_wait3A_147 : memref<64x128xf32, #tpu.memory_space<vmem>>)
        %run_scoped3A_154 = arith.constant 3 : i32
        "tpu.region"() ({
          %run_scoped3A_162 = tpu.sem_alloc : memref<!tpu.dma_semaphore, #tpu.memory_space<semaphore_mem>>
          %dma_start3A_163 = arith.constant 0 : i32
          %dma_start3A_164 = arith.constant 0 : i32
          %dma_start3A_165 = tpu.memref_slice %arg9[%run_scoped3A_154, %dma_start3A_163, %dma_start3A_164] : memref<4x64x128xf32, #tpu.memory_space<vmem>> -> memref<1x64x128xf32, #tpu.memory_space<vmem>>
          %dma_start3A_166 = tpu.memref_squeeze %dma_start3A_165 : memref<1x64x128xf32, #tpu.memory_space<vmem>> -> memref<64x128xf32, #tpu.memory_space<vmem>>
          %dma_start3A_167 = arith.constant 0 : i32
          %dma_start3A_168 = tpu.memref_slice %arg8[%add3A_142, %dma_start3A_167] : memref<32x64xi32, #tpu.memory_space<vmem>> -> memref<1x64xi32, #tpu.memory_space<vmem>>
          %dma_start3A_169 = tpu.memref_squeeze %dma_start3A_168 : memref<1x64xi32, #tpu.memory_space<vmem>> -> memref<64xi32, #tpu.memory_space<vmem>>
          %dma_start3A_170 = arith.constant 0 : i32
          %dma_start3A_171 = arith.constant 0 : i32
          %dma_start3A_172 = tpu.memref_slice %arg10[%dma_start3A_170, %dma_start3A_171] : memref<10240x128xf32, #tpu.memory_space<vmem_shared>> -> memref<10240x128xf32, #tpu.memory_space<vmem_shared>>
          tpu.enqueue_indirect_dma source(%dma_start3A_166 : memref<64x128xf32, #tpu.memory_space<vmem>>) target(%dma_start3A_172 : memref<10240x128xf32, #tpu.memory_space<vmem_shared>>) offsets(%dma_start3A_169 : memref<64xi32, #tpu.memory_space<vmem>>) semaphore(%run_scoped3A_162 : memref<!tpu.dma_semaphore, #tpu.memory_space<semaphore_mem>>) {add = true}
          %dma_wait3A_173 = arith.constant 0 : i32
          %dma_wait3A_174 = arith.constant 0 : i32
          %dma_wait3A_175 = tpu.memref_slice %arg9[%run_scoped3A_154, %dma_wait3A_173, %dma_wait3A_174] : memref<4x64x128xf32, #tpu.memory_space<vmem>> -> memref<1x64x128xf32, #tpu.memory_space<vmem>>
          %dma_wait3A_176 = tpu.memref_squeeze %dma_wait3A_175 : memref<1x64x128xf32, #tpu.memory_space<vmem>> -> memref<64x128xf32, #tpu.memory_space<vmem>>
          %dma_wait3A_177 = arith.constant 0 : i32
          %dma_wait3A_178 = tpu.memref_slice %arg8[%add3A_142, %dma_wait3A_177] : memref<32x64xi32, #tpu.memory_space<vmem>> -> memref<1x64xi32, #tpu.memory_space<vmem>>
          %dma_wait3A_179 = tpu.memref_squeeze %dma_wait3A_178 : memref<1x64xi32, #tpu.memory_space<vmem>> -> memref<64xi32, #tpu.memory_space<vmem>>
          %dma_wait3A_180 = arith.constant 0 : i32
          %dma_wait3A_181 = arith.constant 0 : i32
          %dma_wait3A_182 = tpu.memref_slice %arg10[%dma_wait3A_180, %dma_wait3A_181] : memref<10240x128xf32, #tpu.memory_space<vmem_shared>> -> memref<10240x128xf32, #tpu.memory_space<vmem_shared>>
          tpu.wait_indirect_dma semaphore(%run_scoped3A_162 : memref<!tpu.dma_semaphore, #tpu.memory_space<semaphore_mem>>) src(%dma_wait3A_176 : memref<64x128xf32, #tpu.memory_space<vmem>>) dst(%dma_wait3A_182 : memref<10240x128xf32, #tpu.memory_space<vmem_shared>>)
          tpu.yield
        }) : () -> ()
        %add3A_155 = arith.constant 4 : i32
        %add3A_156 = arith.addi %add3A_142, %add3A_155 : i32
        %lt3A_157 = arith.constant 32 : i32
        %lt3A_158 = arith.cmpi slt, %add3A_156, %lt3A_157 : i32
        %convert_element_type3A_159 = arith.extui %lt3A_158 : i1 to i32
        %cond3A_160 = arith.constant 0 : i32
        %cond3A_161 = arith.cmpi ne, %convert_element_type3A_159, %cond3A_160 : i32
        scf.if %cond3A_161 {
          %add3A_162 = arith.constant 4 : i32
          %add3A_163 = arith.addi %add3A_142, %add3A_162 : i32
          %dma_start3A_164 = arith.constant 3 : i32
          %dma_start3A_165 = arith.constant 0 : i32
          %dma_start3A_166 = arith.constant 0 : i32
          %dma_start3A_167 = tpu.memref_slice %arg9[%dma_start3A_164, %dma_start3A_165, %dma_start3A_166] : memref<4x64x128xf32, #tpu.memory_space<vmem>> -> memref<1x64x128xf32, #tpu.memory_space<vmem>>
          %dma_start3A_168 = tpu.memref_squeeze %dma_start3A_167 : memref<1x64x128xf32, #tpu.memory_space<vmem>> -> memref<64x128xf32, #tpu.memory_space<vmem>>
          %dma_start3A_169 = arith.constant 0 : i32
          %dma_start3A_170 = tpu.memref_slice %arg7[%add3A_163, %dma_start3A_169] : memref<32x64xi32, #tpu.memory_space<vmem>> -> memref<1x64xi32, #tpu.memory_space<vmem>>
          %dma_start3A_171 = tpu.memref_squeeze %dma_start3A_170 : memref<1x64xi32, #tpu.memory_space<vmem>> -> memref<64xi32, #tpu.memory_space<vmem>>
          %dma_start3A_172 = arith.constant 0 : i32
          %dma_start3A_173 = arith.constant 0 : i32
          %dma_start3A_174 = tpu.memref_slice %arg4[%dma_start3A_172, %dma_start3A_173] : memref<10240x128xf32, #tpu.memory_space<hbm>> -> memref<10240x128xf32, #tpu.memory_space<hbm>>
          tpu.enqueue_indirect_dma source(%dma_start3A_174 : memref<10240x128xf32, #tpu.memory_space<hbm>>) target(%dma_start3A_168 : memref<64x128xf32, #tpu.memory_space<vmem>>) offsets(%dma_start3A_171 : memref<64xi32, #tpu.memory_space<vmem>>) semaphore(%arg14 : memref<!tpu.dma_semaphore, #tpu.memory_space<semaphore_mem>>)
        } else {
        }
      }
      %scan3A_73 = arith.constant 8 : i32
    }
    %scan3A_9 = arith.constant 5 : i32
    %barrier3A_10 = arith.constant 0 : index
    tpu.barrier barrier_id(%barrier3A_10)
    %mul3A_11 = arith.constant 640 : i32
    %mul3A_12 = arith.muli %arg1, %mul3A_11 : i32
    %mul3A_13 = arith.constant 640 : i32
    %mul3A_14 = arith.muli %arg1, %mul3A_13 : i32
    "tpu.region"() ({
      %run_scoped3A = tpu.sem_alloc : memref<!tpu.dma_semaphore, #tpu.memory_space<semaphore_mem>>
      %dma_start3A = arith.constant 0 : i32
      %dma_start3A_15 = tpu.memref_slice %arg6[%arg0, %mul3A_14, %dma_start3A] : memref<2x10240x128xf32, #tpu.memory_space<hbm>> -> memref<1x640x128xf32, #tpu.memory_space<hbm>>
      %dma_start3A_16 = tpu.memref_squeeze %dma_start3A_15 : memref<1x640x128xf32, #tpu.memory_space<hbm>> -> memref<640x128xf32, #tpu.memory_space<hbm>>
      %dma_start3A_17 = arith.constant 0 : i32
      %dma_start3A_18 = tpu.memref_slice %arg10[%mul3A_12, %dma_start3A_17] : memref<10240x128xf32, #tpu.memory_space<vmem_shared>> -> memref<640x128xf32, #tpu.memory_space<vmem_shared>>
      tpu.enqueue_dma source(%dma_start3A_18 : memref<640x128xf32, #tpu.memory_space<vmem_shared>>) target(%dma_start3A_16 : memref<640x128xf32, #tpu.memory_space<hbm>>) target_semaphore(%run_scoped3A : memref<!tpu.dma_semaphore, #tpu.memory_space<semaphore_mem>>)
      %dma_wait3A = arith.constant 0 : i32
      %dma_wait3A_19 = tpu.memref_slice %arg6[%arg0, %mul3A_14, %dma_wait3A] : memref<2x10240x128xf32, #tpu.memory_space<hbm>> -> memref<1x640x128xf32, #tpu.memory_space<hbm>>
      %dma_wait3A_20 = tpu.memref_squeeze %dma_wait3A_19 : memref<1x640x128xf32, #tpu.memory_space<hbm>> -> memref<640x128xf32, #tpu.memory_space<hbm>>
      %dma_wait3A_21 = arith.constant 0 : i32
      %dma_wait3A_22 = tpu.memref_slice %arg10[%mul3A_12, %dma_wait3A_21] : memref<10240x128xf32, #tpu.memory_space<vmem_shared>> -> memref<640x128xf32, #tpu.memory_space<vmem_shared>>
      tpu.wait_dma2 semaphore(%run_scoped3A : memref<!tpu.dma_semaphore, #tpu.memory_space<semaphore_mem>>) src(%dma_wait3A_22 : memref<640x128xf32, #tpu.memory_space<vmem_shared>>) dst(%dma_wait3A_20 : memref<640x128xf32, #tpu.memory_space<hbm>>)
      tpu.yield
    }) : () -> ()
    return
  }
}

#map = affine_map<(d0, d1) -> (0, 0)>
#map1 = affine_map<(d0, d1) -> (0)>
module attributes {stable_mosaic.version = 14 : i64} {
  func.func @k(%arg0: i32, %arg1: i32, %arg2: memref<2560x128xi32, #tpu.memory_space<hbm>>, %arg3: memref<10240xf32, #tpu.memory_space<hbm>>, %arg4: memref<128xf32, #tpu.memory_space<hbm>>, %arg5: memref<2x10240xf32, #tpu.memory_space<hbm>>, %arg6: memref<80x128xi32, #tpu.memory_space<vmem>>, %arg7: memref<128xf32, #tpu.memory_space<vmem>>, %arg8: memref<10240xf32, #tpu.memory_space<vmem_shared>>) attributes {dimension_semantics = [#tpu.dimension_semantics<core_parallel>, #tpu.dimension_semantics<subcore_parallel>], iteration_bounds = array<i64: 2, 16>, scalar_prefetch = 0 : i64, scratch_operands = 3 : i64, tpu.core_type = #tpu.core_type<sc_vector_subcore>, window_params = [{transform_indices = #map}, {transform_indices = #map1}, {transform_indices = #map1}, {transform_indices = #map}]} {
    %mul3A = arith.constant 2 : i32
    %mul3A_0 = arith.muli %arg1, %mul3A : i32
    %add3A = arith.addi %mul3A_0, %arg0 : i32
    %mul3A_1 = arith.constant 80 : i32
    %mul3A_2 = arith.muli %add3A, %mul3A_1 : i32
    "tpu.region"() ({
      %run_scoped3A = tpu.sem_alloc : memref<!tpu.dma_semaphore, #tpu.memory_space<semaphore_mem>>
      %dma_start3A = arith.constant 0 : i32
      %dma_start3A_17 = tpu.memref_slice %arg2[%mul3A_2, %dma_start3A] : memref<2560x128xi32, #tpu.memory_space<hbm>> -> memref<80x128xi32, #tpu.memory_space<hbm>>
      %dma_start3A_18 = arith.constant 0 : i32
      %dma_start3A_19 = tpu.memref_slice %arg2[%mul3A_2, %dma_start3A_18] : memref<2560x128xi32, #tpu.memory_space<hbm>> -> memref<80x128xi32, #tpu.memory_space<hbm>>
      tpu.enqueue_dma source(%dma_start3A_19 : memref<80x128xi32, #tpu.memory_space<hbm>>) target(%arg6 : memref<80x128xi32, #tpu.memory_space<vmem>>) target_semaphore(%run_scoped3A : memref<!tpu.dma_semaphore, #tpu.memory_space<semaphore_mem>>)
      %dma_wait3A = arith.constant 0 : i32
      %dma_wait3A_20 = tpu.memref_slice %arg2[%mul3A_2, %dma_wait3A] : memref<2560x128xi32, #tpu.memory_space<hbm>> -> memref<80x128xi32, #tpu.memory_space<hbm>>
      %dma_wait3A_21 = arith.constant 0 : i32
      %dma_wait3A_22 = tpu.memref_slice %arg2[%mul3A_2, %dma_wait3A_21] : memref<2560x128xi32, #tpu.memory_space<hbm>> -> memref<80x128xi32, #tpu.memory_space<hbm>>
      tpu.wait_dma2 semaphore(%run_scoped3A : memref<!tpu.dma_semaphore, #tpu.memory_space<semaphore_mem>>) src(%dma_wait3A_22 : memref<80x128xi32, #tpu.memory_space<hbm>>) dst(%arg6 : memref<80x128xi32, #tpu.memory_space<vmem>>)
      tpu.yield
    }) : () -> ()
    "tpu.region"() ({
      %run_scoped3A = tpu.sem_alloc : memref<!tpu.dma_semaphore, #tpu.memory_space<semaphore_mem>>
      tpu.enqueue_dma source(%arg4 : memref<128xf32, #tpu.memory_space<hbm>>) target(%arg7 : memref<128xf32, #tpu.memory_space<vmem>>) target_semaphore(%run_scoped3A : memref<!tpu.dma_semaphore, #tpu.memory_space<semaphore_mem>>)
      tpu.wait_dma2 semaphore(%run_scoped3A : memref<!tpu.dma_semaphore, #tpu.memory_space<semaphore_mem>>) src(%arg4 : memref<128xf32, #tpu.memory_space<hbm>>) dst(%arg7 : memref<128xf32, #tpu.memory_space<vmem>>)
      tpu.yield
    }) : () -> ()
    %mul3A_3 = arith.constant 640 : i32
    %mul3A_4 = arith.muli %arg1, %mul3A_3 : i32
    %mul3A_5 = arith.constant 640 : i32
    %mul3A_6 = arith.muli %arg1, %mul3A_5 : i32
    "tpu.region"() ({
      %run_scoped3A = tpu.sem_alloc : memref<!tpu.dma_semaphore, #tpu.memory_space<semaphore_mem>>
      %dma_start3A = tpu.memref_slice %arg8[%mul3A_6] : memref<10240xf32, #tpu.memory_space<vmem_shared>> -> memref<640xf32, #tpu.memory_space<vmem_shared>>
      %dma_start3A_17 = tpu.memref_slice %arg3[%mul3A_4] : memref<10240xf32, #tpu.memory_space<hbm>> -> memref<640xf32, #tpu.memory_space<hbm>>
      tpu.enqueue_dma source(%dma_start3A_17 : memref<640xf32, #tpu.memory_space<hbm>>) target(%dma_start3A : memref<640xf32, #tpu.memory_space<vmem_shared>>) target_semaphore(%run_scoped3A : memref<!tpu.dma_semaphore, #tpu.memory_space<semaphore_mem>>)
      %dma_wait3A = tpu.memref_slice %arg8[%mul3A_6] : memref<10240xf32, #tpu.memory_space<vmem_shared>> -> memref<640xf32, #tpu.memory_space<vmem_shared>>
      %dma_wait3A_18 = tpu.memref_slice %arg3[%mul3A_4] : memref<10240xf32, #tpu.memory_space<hbm>> -> memref<640xf32, #tpu.memory_space<hbm>>
      tpu.wait_dma2 semaphore(%run_scoped3A : memref<!tpu.dma_semaphore, #tpu.memory_space<semaphore_mem>>) src(%dma_wait3A_18 : memref<640xf32, #tpu.memory_space<hbm>>) dst(%dma_wait3A : memref<640xf32, #tpu.memory_space<vmem_shared>>)
      tpu.yield
    }) : () -> ()
    %barrier3A = arith.constant 0 : index
    tpu.barrier barrier_id(%barrier3A)
    %scan3A = arith.constant 0 : i32
    %scan3A_7 = arith.constant 0 : i32
    %scan3A_8 = arith.constant 80 : i32
    %scan3A_9 = arith.addi %scan3A_7, %scan3A_8 : i32
    %scan3A_10 = arith.constant 1 : i32
    scf.for %scan3A_17 = %scan3A_7 to %scan3A_9 step %scan3A_10  : i32 {
      "tpu.region"() ({
        %run_scoped3A = tpu.sem_alloc : memref<!tpu.dma_semaphore, #tpu.memory_space<semaphore_mem>>
        %dma_start3A = arith.constant 0 : i32
        %dma_start3A_18 = tpu.memref_slice %arg6[%scan3A_17, %dma_start3A] : memref<80x128xi32, #tpu.memory_space<vmem>> -> memref<1x128xi32, #tpu.memory_space<vmem>>
        %dma_start3A_19 = tpu.memref_squeeze %dma_start3A_18 : memref<1x128xi32, #tpu.memory_space<vmem>> -> memref<128xi32, #tpu.memory_space<vmem>>
        %dma_start3A_20 = arith.constant 0 : i32
        %dma_start3A_21 = tpu.memref_slice %arg8[%dma_start3A_20] : memref<10240xf32, #tpu.memory_space<vmem_shared>> -> memref<10240xf32, #tpu.memory_space<vmem_shared>>
        tpu.enqueue_indirect_dma source(%arg7 : memref<128xf32, #tpu.memory_space<vmem>>) target(%dma_start3A_21 : memref<10240xf32, #tpu.memory_space<vmem_shared>>) offsets(%dma_start3A_19 : memref<128xi32, #tpu.memory_space<vmem>>) semaphore(%run_scoped3A : memref<!tpu.dma_semaphore, #tpu.memory_space<semaphore_mem>>) {add = true}
        %dma_wait3A = arith.constant 0 : i32
        %dma_wait3A_22 = tpu.memref_slice %arg6[%scan3A_17, %dma_wait3A] : memref<80x128xi32, #tpu.memory_space<vmem>> -> memref<1x128xi32, #tpu.memory_space<vmem>>
        %dma_wait3A_23 = tpu.memref_squeeze %dma_wait3A_22 : memref<1x128xi32, #tpu.memory_space<vmem>> -> memref<128xi32, #tpu.memory_space<vmem>>
        %dma_wait3A_24 = arith.constant 0 : i32
        %dma_wait3A_25 = tpu.memref_slice %arg8[%dma_wait3A_24] : memref<10240xf32, #tpu.memory_space<vmem_shared>> -> memref<10240xf32, #tpu.memory_space<vmem_shared>>
        tpu.wait_indirect_dma semaphore(%run_scoped3A : memref<!tpu.dma_semaphore, #tpu.memory_space<semaphore_mem>>) src(%arg7 : memref<128xf32, #tpu.memory_space<vmem>>) dst(%dma_wait3A_25 : memref<10240xf32, #tpu.memory_space<vmem_shared>>)
        tpu.yield
      }) : () -> ()
    }
    %scan3A_11 = arith.constant 80 : i32
    %barrier3A_12 = arith.constant 0 : index
    tpu.barrier barrier_id(%barrier3A_12)
    %mul3A_13 = arith.constant 640 : i32
    %mul3A_14 = arith.muli %arg1, %mul3A_13 : i32
    %mul3A_15 = arith.constant 640 : i32
    %mul3A_16 = arith.muli %arg1, %mul3A_15 : i32
    "tpu.region"() ({
      %run_scoped3A = tpu.sem_alloc : memref<!tpu.dma_semaphore, #tpu.memory_space<semaphore_mem>>
      %dma_start3A = tpu.memref_slice %arg5[%arg0, %mul3A_16] : memref<2x10240xf32, #tpu.memory_space<hbm>> -> memref<1x640xf32, #tpu.memory_space<hbm>>
      %dma_start3A_17 = tpu.memref_squeeze %dma_start3A : memref<1x640xf32, #tpu.memory_space<hbm>> -> memref<640xf32, #tpu.memory_space<hbm>>
      %dma_start3A_18 = tpu.memref_slice %arg8[%mul3A_14] : memref<10240xf32, #tpu.memory_space<vmem_shared>> -> memref<640xf32, #tpu.memory_space<vmem_shared>>
      tpu.enqueue_dma source(%dma_start3A_18 : memref<640xf32, #tpu.memory_space<vmem_shared>>) target(%dma_start3A_17 : memref<640xf32, #tpu.memory_space<hbm>>) target_semaphore(%run_scoped3A : memref<!tpu.dma_semaphore, #tpu.memory_space<semaphore_mem>>)
      %dma_wait3A = tpu.memref_slice %arg5[%arg0, %mul3A_16] : memref<2x10240xf32, #tpu.memory_space<hbm>> -> memref<1x640xf32, #tpu.memory_space<hbm>>
      %dma_wait3A_19 = tpu.memref_squeeze %dma_wait3A : memref<1x640xf32, #tpu.memory_space<hbm>> -> memref<640xf32, #tpu.memory_space<hbm>>
      %dma_wait3A_20 = tpu.memref_slice %arg8[%mul3A_14] : memref<10240xf32, #tpu.memory_space<vmem_shared>> -> memref<640xf32, #tpu.memory_space<vmem_shared>>
      tpu.wait_dma2 semaphore(%run_scoped3A : memref<!tpu.dma_semaphore, #tpu.memory_space<semaphore_mem>>) src(%dma_wait3A_20 : memref<640xf32, #tpu.memory_space<vmem_shared>>) dst(%dma_wait3A_19 : memref<640xf32, #tpu.memory_space<hbm>>)
      tpu.yield
    }) : () -> ()
    return
  }
}

module attributes {stable_mosaic.version = 14 : i64} {
  func.func @body(%arg0: i32, %arg1: memref<1000x128xf32, #tpu.memory_space<vmem>>, %arg2: memref<128x128xf32, #tpu.memory_space<vmem>>, %arg3: memref<2x1000x1xf32, #tpu.memory_space<vmem>>, %arg4: memref<1x128xf32, #tpu.memory_space<vmem>>, %arg5: memref<1000x128xf32, #tpu.memory_space<vmem>>, %arg6: memref<1000x128xf32, #tpu.memory_space<vmem>>, %arg7: memref<1000x1xf32, #tpu.memory_space<vmem>>) attributes {dimension_semantics = [#tpu.dimension_semantics<arbitrary>], iteration_bounds = array<i64: 10>, scalar_prefetch = 0 : i64, scratch_operands = 0 : i64, tpu.core_type = #tpu.core_type<tc>, window_params = [{transform_indices = @transform_0, window_bounds = array<i64: 1000, 128>}, {pipeline_mode = #tpu.pipeline_mode<synchronous>, transform_indices = @transform_1, window_bounds = array<i64: 128, 128>}, {transform_indices = @transform_2, window_bounds = array<i64: 2, 1000, 1>}, {pipeline_mode = #tpu.pipeline_mode<synchronous>, transform_indices = @transform_3, window_bounds = array<i64: 1, 128>}, {transform_indices = @transform_4, window_bounds = array<i64: 1000, 128>}, {transform_indices = @transform_5, window_bounds = array<i64: 1000, 128>}, {transform_indices = @transform_6, window_bounds = array<i64: 1000, 1>}]} {
    %get3A = arith.constant 0 : index
    %get3A_0 = arith.constant 0 : index
    %get3A_1 = vector.load %arg1[%get3A, %get3A_0] : memref<1000x128xf32, #tpu.memory_space<vmem>>, vector<1000x128xf32>
    %get3A_2 = arith.constant 0 : index
    %get3A_3 = arith.constant 0 : index
    %get3A_4 = vector.load %arg2[%get3A_2, %get3A_3] : memref<128x128xf32, #tpu.memory_space<vmem>>, vector<128x128xf32>
    %dot_general3A = arith.constant dense<0.000000e+00> : vector<1000x128xf32>
    %dot_general3A_5 = tpu.matmul %get3A_1, %get3A_4, %dot_general3A {dimension_numbers = #tpu.dot_dimension_numbers<[1], [0], [0], [1], [0, 0, 1, 1], [], []>, precision = #tpu.contract_precision<fp32>, transpose_lhs_hint = false} : vector<1000x128xf32>, vector<128x128xf32>, vector<1000x128xf32> -> vector<1000x128xf32>
    %get3A_6 = arith.constant 0 : index
    %get3A_7 = arith.constant 0 : index
    %get3A_8 = arith.constant 0 : index
    %get3A_9 = vector.load %arg3[%get3A_6, %get3A_7, %get3A_8] : memref<2x1000x1xf32, #tpu.memory_space<vmem>>, vector<1x1000x1xf32>
    %get3A_10 = vector.shape_cast %get3A_9 : vector<1x1000x1xf32> to vector<1000x1xf32>
    %get3A_11 = arith.constant 1 : index
    %get3A_12 = arith.constant 0 : index
    %get3A_13 = arith.constant 0 : index
    %get3A_14 = vector.load %arg3[%get3A_11, %get3A_12, %get3A_13] : memref<2x1000x1xf32, #tpu.memory_space<vmem>>, vector<1x1000x1xf32>
    %get3A_15 = vector.shape_cast %get3A_14 : vector<1x1000x1xf32> to vector<1000x1xf32>
    %add3A = arith.addf %get3A_10, %get3A_15 : vector<1000x1xf32>
    %add3A_16 = arith.constant 1.000000e+00 : f32
    %add3A_17 = vector.broadcast %add3A_16 : f32 to vector<1000x1xf32>
    %add3A_18 = arith.addf %add3A, %add3A_17 : vector<1000x1xf32>
    %rsqrt3A = math.rsqrt %add3A_18 : vector<1000x1xf32>
    %mul3A = vector.broadcast %rsqrt3A : vector<1000x1xf32> to vector<1000x128xf32>
    %mul3A_19 = arith.mulf %dot_general3A_5, %mul3A : vector<1000x128xf32>
    %swap3A = arith.constant 0 : index
    %swap3A_20 = arith.constant 0 : index
    %swap3A_21 = vector.load %arg5[%swap3A, %swap3A_20] : memref<1000x128xf32, #tpu.memory_space<vmem>>, vector<1000x128xf32>
    tpu.vector_store %arg5[%swap3A, %swap3A_20], %mul3A_19 {strides = array<i32>} : memref<1000x128xf32, #tpu.memory_space<vmem>>, vector<1000x128xf32>,
    %mul3A_22 = arith.mulf %rsqrt3A, %rsqrt3A : vector<1000x1xf32>
    %mul3A_23 = vector.broadcast %mul3A_22 : vector<1000x1xf32> to vector<1000x128xf32>
    %mul3A_24 = arith.mulf %dot_general3A_5, %mul3A_23 : vector<1000x128xf32>
    %get3A_25 = arith.constant 0 : index
    %get3A_26 = arith.constant 0 : index
    %get3A_27 = vector.load %arg4[%get3A_25, %get3A_26] : memref<1x128xf32, #tpu.memory_space<vmem>>, vector<1x128xf32>
    %add3A_28 = vector.broadcast %get3A_27 : vector<1x128xf32> to vector<1000x128xf32>
    %add3A_29 = arith.addf %mul3A_24, %add3A_28 : vector<1000x128xf32>
    %swap3A_30 = arith.constant 0 : index
    %swap3A_31 = arith.constant 0 : index
    %swap3A_32 = vector.load %arg6[%swap3A_30, %swap3A_31] : memref<1000x128xf32, #tpu.memory_space<vmem>>, vector<1000x128xf32>
    tpu.vector_store %arg6[%swap3A_30, %swap3A_31], %add3A_29 {strides = array<i32>} : memref<1000x128xf32, #tpu.memory_space<vmem>>, vector<1000x128xf32>,
    %swap3A_33 = arith.constant 0 : index
    %swap3A_34 = arith.constant 0 : index
    %swap3A_35 = vector.load %arg7[%swap3A_33, %swap3A_34] : memref<1000x1xf32, #tpu.memory_space<vmem>>, vector<1000x1xf32>
    tpu.vector_store %arg7[%swap3A_33, %swap3A_34], %rsqrt3A {strides = array<i32>} : memref<1000x1xf32, #tpu.memory_space<vmem>>, vector<1000x1xf32>,
    return
  }
  func.func @transform_0(%arg0: i32) -> (i32, i32) {
    %c0_i32 = arith.constant 0 : i32
    %c0_i32_0 = arith.constant 0 : i32
    return %arg0, %c0_i32 : i32, i32
  }
  func.func @transform_1(%arg0: i32) -> (i32, i32) {
    %c0_i32 = arith.constant 0 : i32
    %c0_i32_0 = arith.constant 0 : i32
    %c0_i32_1 = arith.constant 0 : i32
    return %c0_i32, %c0_i32_0 : i32, i32
  }
  func.func @transform_2(%arg0: i32) -> (i32, i32, i32) {
    %c0_i32 = arith.constant 0 : i32
    %c0_i32_0 = arith.constant 0 : i32
    %c0_i32_1 = arith.constant 0 : i32
    return %c0_i32, %arg0, %c0_i32_0 : i32, i32, i32
  }
  func.func @transform_3(%arg0: i32) -> (i32, i32) {
    %c0_i32 = arith.constant 0 : i32
    %c0_i32_0 = arith.constant 0 : i32
    %c0_i32_1 = arith.constant 0 : i32
    return %c0_i32, %c0_i32_0 : i32, i32
  }
  func.func @transform_4(%arg0: i32) -> (i32, i32) {
    %c0_i32 = arith.constant 0 : i32
    %c0_i32_0 = arith.constant 0 : i32
    return %arg0, %c0_i32 : i32, i32
  }
  func.func @transform_5(%arg0: i32) -> (i32, i32) {
    %c0_i32 = arith.constant 0 : i32
    %c0_i32_0 = arith.constant 0 : i32
    return %arg0, %c0_i32 : i32, i32
  }
  func.func @transform_6(%arg0: i32) -> (i32, i32) {
    %c0_i32 = arith.constant 0 : i32
    %c0_i32_0 = arith.constant 0 : i32
    return %arg0, %c0_i32 : i32, i32
  }
}

module attributes {stable_mosaic.version = 14 : i64} {
  func.func @body(%arg0: i32, %arg1: memref<2x1000x128xf32, #tpu.memory_space<vmem>>, %arg2: memref<1000x128xf32, #tpu.memory_space<vmem>>, %arg3: memref<1000x1xf32, #tpu.memory_space<vmem>>, %arg4: memref<128x64xf32, #tpu.memory_space<vmem>>, %arg5: memref<1x64xf32, #tpu.memory_space<vmem>>, %arg6: memref<1000x128xf32, #tpu.memory_space<vmem>>, %arg7: memref<1000x64xf32, #tpu.memory_space<vmem>>) attributes {dimension_semantics = [#tpu.dimension_semantics<arbitrary>], iteration_bounds = array<i64: 10>, scalar_prefetch = 0 : i64, scratch_operands = 0 : i64, tpu.core_type = #tpu.core_type<tc>, window_params = [{transform_indices = @transform_0, window_bounds = array<i64: 2, 1000, 128>}, {transform_indices = @transform_1, window_bounds = array<i64: 1000, 128>}, {transform_indices = @transform_2, window_bounds = array<i64: 1000, 1>}, {pipeline_mode = #tpu.pipeline_mode<synchronous>, transform_indices = @transform_3, window_bounds = array<i64: 128, 64>}, {pipeline_mode = #tpu.pipeline_mode<synchronous>, transform_indices = @transform_4, window_bounds = array<i64: 1, 64>}, {transform_indices = @transform_5, window_bounds = array<i64: 1000, 128>}, {transform_indices = @transform_6, window_bounds = array<i64: 1000, 64>}]} {
    %get3A = arith.constant 0 : index
    %get3A_0 = arith.constant 0 : index
    %get3A_1 = vector.load %arg3[%get3A, %get3A_0] : memref<1000x1xf32, #tpu.memory_space<vmem>>, vector<1000x1xf32>
    %get3A_2 = arith.constant 0 : index
    %get3A_3 = arith.constant 0 : index
    %get3A_4 = arith.constant 0 : index
    %get3A_5 = vector.load %arg1[%get3A_2, %get3A_3, %get3A_4] : memref<2x1000x128xf32, #tpu.memory_space<vmem>>, vector<1x1000x128xf32>
    %get3A_6 = vector.shape_cast %get3A_5 : vector<1x1000x128xf32> to vector<1000x128xf32>
    %get3A_7 = arith.constant 1 : index
    %get3A_8 = arith.constant 0 : index
    %get3A_9 = arith.constant 0 : index
    %get3A_10 = vector.load %arg1[%get3A_7, %get3A_8, %get3A_9] : memref<2x1000x128xf32, #tpu.memory_space<vmem>>, vector<1x1000x128xf32>
    %get3A_11 = vector.shape_cast %get3A_10 : vector<1x1000x128xf32> to vector<1000x128xf32>
    %add3A = arith.addf %get3A_6, %get3A_11 : vector<1000x128xf32>
    %mul3A = vector.broadcast %get3A_1 : vector<1000x1xf32> to vector<1000x128xf32>
    %mul3A_12 = arith.mulf %mul3A, %add3A : vector<1000x128xf32>
    %get3A_13 = arith.constant 0 : index
    %get3A_14 = arith.constant 0 : index
    %get3A_15 = vector.load %arg2[%get3A_13, %get3A_14] : memref<1000x128xf32, #tpu.memory_space<vmem>>, vector<1000x128xf32>
    %add3A_16 = arith.addf %mul3A_12, %get3A_15 : vector<1000x128xf32>
    %tanh3A = math.tanh %add3A_16 : vector<1000x128xf32>
    %get3A_17 = arith.constant 0 : index
    %get3A_18 = arith.constant 0 : index
    %get3A_19 = vector.load %arg4[%get3A_17, %get3A_18] : memref<128x64xf32, #tpu.memory_space<vmem>>, vector<128x64xf32>
    %dot_general3A = arith.constant dense<0.000000e+00> : vector<1000x64xf32>
    %dot_general3A_20 = tpu.matmul %tanh3A, %get3A_19, %dot_general3A {dimension_numbers = #tpu.dot_dimension_numbers<[1], [0], [0], [1], [0, 0, 1, 1], [], []>, precision = #tpu.contract_precision<fp32>, transpose_lhs_hint = false} : vector<1000x128xf32>, vector<128x64xf32>, vector<1000x64xf32> -> vector<1000x64xf32>
    %mul3A_21 = vector.broadcast %get3A_1 : vector<1000x1xf32> to vector<1000x64xf32>
    %mul3A_22 = arith.mulf %dot_general3A_20, %mul3A_21 : vector<1000x64xf32>
    %broadcast_in_dim3A = arith.constant 0.000000e+00 : f32
    %broadcast_in_dim3A_23 = vector.broadcast %broadcast_in_dim3A : f32 to vector<1000x64xf32>
    %concatenate3A = tpu.concatenate %mul3A_22, %broadcast_in_dim3A_23 in 1 : vector<1000x64xf32>, vector<1000x64xf32> -> vector<1000x128xf32>
    %swap3A = arith.constant 0 : index
    %swap3A_24 = arith.constant 0 : index
    %swap3A_25 = vector.load %arg6[%swap3A, %swap3A_24] : memref<1000x128xf32, #tpu.memory_space<vmem>>, vector<1000x128xf32>
    tpu.vector_store %arg6[%swap3A, %swap3A_24], %concatenate3A {strides = array<i32>} : memref<1000x128xf32, #tpu.memory_space<vmem>>, vector<1000x128xf32>,
    %mul3A_26 = arith.mulf %get3A_1, %get3A_1 : vector<1000x1xf32>
    %mul3A_27 = vector.broadcast %mul3A_26 : vector<1000x1xf32> to vector<1000x64xf32>
    %mul3A_28 = arith.mulf %dot_general3A_20, %mul3A_27 : vector<1000x64xf32>
    %get3A_29 = arith.constant 0 : index
    %get3A_30 = arith.constant 0 : index
    %get3A_31 = vector.load %arg5[%get3A_29, %get3A_30] : memref<1x64xf32, #tpu.memory_space<vmem>>, vector<1x64xf32>
    %add3A_32 = vector.broadcast %get3A_31 : vector<1x64xf32> to vector<1000x64xf32>
    %add3A_33 = arith.addf %mul3A_28, %add3A_32 : vector<1000x64xf32>
    %swap3A_34 = arith.constant 0 : index
    %swap3A_35 = arith.constant 0 : index
    %swap3A_36 = vector.load %arg7[%swap3A_34, %swap3A_35] : memref<1000x64xf32, #tpu.memory_space<vmem>>, vector<1000x64xf32>
    tpu.vector_store %arg7[%swap3A_34, %swap3A_35], %add3A_33 {strides = array<i32>} : memref<1000x64xf32, #tpu.memory_space<vmem>>, vector<1000x64xf32>,
    return
  }
  func.func @transform_0(%arg0: i32) -> (i32, i32, i32) {
    %c0_i32 = arith.constant 0 : i32
    %c0_i32_0 = arith.constant 0 : i32
    %c0_i32_1 = arith.constant 0 : i32
    return %c0_i32, %arg0, %c0_i32_0 : i32, i32, i32
  }
  func.func @transform_1(%arg0: i32) -> (i32, i32) {
    %c0_i32 = arith.constant 0 : i32
    %c0_i32_0 = arith.constant 0 : i32
    return %arg0, %c0_i32 : i32, i32
  }
  func.func @transform_2(%arg0: i32) -> (i32, i32) {
    %c0_i32 = arith.constant 0 : i32
    %c0_i32_0 = arith.constant 0 : i32
    return %arg0, %c0_i32 : i32, i32
  }
  func.func @transform_3(%arg0: i32) -> (i32, i32) {
    %c0_i32 = arith.constant 0 : i32
    %c0_i32_0 = arith.constant 0 : i32
    %c0_i32_1 = arith.constant 0 : i32
    return %c0_i32, %c0_i32_0 : i32, i32
  }
  func.func @transform_4(%arg0: i32) -> (i32, i32) {
    %c0_i32 = arith.constant 0 : i32
    %c0_i32_0 = arith.constant 0 : i32
    %c0_i32_1 = arith.constant 0 : i32
    return %c0_i32, %c0_i32_0 : i32, i32
  }
  func.func @transform_5(%arg0: i32) -> (i32, i32) {
    %c0_i32 = arith.constant 0 : i32
    %c0_i32_0 = arith.constant 0 : i32
    return %arg0, %c0_i32 : i32, i32
  }
  func.func @transform_6(%arg0: i32) -> (i32, i32) {
    %c0_i32 = arith.constant 0 : i32
    %c0_i32_0 = arith.constant 0 : i32
    return %arg0, %c0_i32 : i32, i32
  }
}

module attributes {stable_mosaic.version = 14 : i64} {
  func.func @body(%arg0: i32, %arg1: memref<2x1000x128xf32, #tpu.memory_space<vmem>>, %arg2: memref<1000x64xf32, #tpu.memory_space<vmem>>, %arg3: memref<1000x1xf32, #tpu.memory_space<vmem>>, %arg4: memref<1000x64xf32, #tpu.memory_space<vmem>>) attributes {dimension_semantics = [#tpu.dimension_semantics<arbitrary>], iteration_bounds = array<i64: 10>, scalar_prefetch = 0 : i64, scratch_operands = 0 : i64, tpu.core_type = #tpu.core_type<tc>, window_params = [{transform_indices = @transform_0, window_bounds = array<i64: 2, 1000, 128>}, {transform_indices = @transform_1, window_bounds = array<i64: 1000, 64>}, {transform_indices = @transform_2, window_bounds = array<i64: 1000, 1>}, {transform_indices = @transform_3, window_bounds = array<i64: 1000, 64>}]} {
    %get3A = arith.constant 0 : index
    %get3A_0 = arith.constant 0 : index
    %get3A_1 = vector.load %arg3[%get3A, %get3A_0] : memref<1000x1xf32, #tpu.memory_space<vmem>>, vector<1000x1xf32>
    %get3A_2 = arith.constant 0 : index
    %get3A_3 = arith.constant 0 : index
    %get3A_4 = arith.constant 0 : index
    %get3A_5 = vector.load %arg1[%get3A_2, %get3A_3, %get3A_4] : memref<2x1000x128xf32, #tpu.memory_space<vmem>>, vector<1x1000x128xf32>
    %get3A_6 = vector.shape_cast %get3A_5 : vector<1x1000x128xf32> to vector<1000x128xf32>
    %get3A_7 = arith.constant 1 : index
    %get3A_8 = arith.constant 0 : index
    %get3A_9 = arith.constant 0 : index
    %get3A_10 = vector.load %arg1[%get3A_7, %get3A_8, %get3A_9] : memref<2x1000x128xf32, #tpu.memory_space<vmem>>, vector<1x1000x128xf32>
    %get3A_11 = vector.shape_cast %get3A_10 : vector<1x1000x128xf32> to vector<1000x128xf32>
    %add3A = arith.addf %get3A_6, %get3A_11 : vector<1000x128xf32>
    %slice3A = vector.extract_strided_slice %add3A {offsets = [0, 0], sizes = [1000, 64], strides = [1, 1]} : vector<1000x128xf32> to vector<1000x64xf32>
    %mul3A = vector.broadcast %get3A_1 : vector<1000x1xf32> to vector<1000x64xf32>
    %mul3A_12 = arith.mulf %mul3A, %slice3A : vector<1000x64xf32>
    %get3A_13 = arith.constant 0 : index
    %get3A_14 = arith.constant 0 : index
    %get3A_15 = vector.load %arg2[%get3A_13, %get3A_14] : memref<1000x64xf32, #tpu.memory_space<vmem>>, vector<1000x64xf32>
    %add3A_16 = arith.addf %mul3A_12, %get3A_15 : vector<1000x64xf32>
    %tanh3A = math.tanh %add3A_16 : vector<1000x64xf32>
    %swap3A = arith.constant 0 : index
    %swap3A_17 = arith.constant 0 : index
    %swap3A_18 = vector.load %arg4[%swap3A, %swap3A_17] : memref<1000x64xf32, #tpu.memory_space<vmem>>, vector<1000x64xf32>
    tpu.vector_store %arg4[%swap3A, %swap3A_17], %tanh3A {strides = array<i32>} : memref<1000x64xf32, #tpu.memory_space<vmem>>, vector<1000x64xf32>,
    return
  }
  func.func @transform_0(%arg0: i32) -> (i32, i32, i32) {
    %c0_i32 = arith.constant 0 : i32
    %c0_i32_0 = arith.constant 0 : i32
    %c0_i32_1 = arith.constant 0 : i32
    return %c0_i32, %arg0, %c0_i32_0 : i32, i32, i32
  }
  func.func @transform_1(%arg0: i32) -> (i32, i32) {
    %c0_i32 = arith.constant 0 : i32
    %c0_i32_0 = arith.constant 0 : i32
    return %arg0, %c0_i32 : i32, i32
  }
  func.func @transform_2(%arg0: i32) -> (i32, i32) {
    %c0_i32 = arith.constant 0 : i32
    %c0_i32_0 = arith.constant 0 : i32
    return %arg0, %c0_i32 : i32, i32
  }
  func.func @transform_3(%arg0: i32) -> (i32, i32) {
    %c0_i32 = arith.constant 0 : i32
    %c0_i32_0 = arith.constant 0 : i32
    return %arg0, %c0_i32 : i32, i32
  }
}

module attributes {stable_mosaic.version = 14 : i64} {
  func.func @body(%arg0: i32, %arg1: memref<1x64000xf32, #tpu.memory_space<vmem>>, %arg2: memref<16x64000xf32, #tpu.memory_space<vmem>>, %arg3: memref<16x1xf32, #tpu.memory_space<vmem>>, %arg4: memref<16x1xf32, #tpu.memory_space<vmem>>) attributes {dimension_semantics = [#tpu.dimension_semantics<arbitrary>], iteration_bounds = array<i64: 10>, scalar_prefetch = 0 : i64, scratch_operands = 0 : i64, tpu.core_type = #tpu.core_type<tc>, window_params = [{transform_indices = @transform_0, window_bounds = array<i64: 1, 64000>}, {transform_indices = @transform_1, window_bounds = array<i64: 16, 64000>}, {pipeline_mode = #tpu.pipeline_mode<synchronous>, transform_indices = @transform_2, window_bounds = array<i64: 16, 1>}, {pipeline_mode = #tpu.pipeline_mode<synchronous>, transform_indices = @transform_3, window_bounds = array<i64: 16, 1>}]} {
    %eq3A = arith.constant 0 : i32
    %eq3A_0 = arith.cmpi eq, %arg0, %eq3A : i32
    %convert_element_type3A = arith.extui %eq3A_0 : i1 to i32
    %cond3A = arith.constant 0 : i32
    %cond3A_1 = arith.cmpi ne, %convert_element_type3A, %cond3A : i32
    scf.if %cond3A_1 {
      %get3A_14 = arith.constant 0 : index
      %get3A_15 = arith.constant 0 : index
      %get3A_16 = vector.load %arg3[%get3A_14, %get3A_15] : memref<16x1xf32, #tpu.memory_space<vmem>>, vector<16x1xf32>
      %swap3A_17 = arith.constant 0 : index
      %swap3A_18 = arith.constant 0 : index
      %swap3A_19 = vector.load %arg4[%swap3A_17, %swap3A_18] : memref<16x1xf32, #tpu.memory_space<vmem>>, vector<16x1xf32>
      tpu.vector_store %arg4[%swap3A_17, %swap3A_18], %get3A_16 {strides = array<i32>} : memref<16x1xf32, #tpu.memory_space<vmem>>, vector<16x1xf32>,
    } else {
    }
    %get3A = arith.constant 0 : index
    %get3A_2 = arith.constant 0 : index
    %get3A_3 = vector.load %arg4[%get3A, %get3A_2] : memref<16x1xf32, #tpu.memory_space<vmem>>, vector<16x1xf32>
    %get3A_4 = arith.constant 0 : index
    %get3A_5 = arith.constant 0 : index
    %get3A_6 = vector.load %arg1[%get3A_4, %get3A_5] : memref<1x64000xf32, #tpu.memory_space<vmem>>, vector<1x64000xf32>
    %get3A_7 = arith.constant 0 : index
    %get3A_8 = arith.constant 0 : index
    %get3A_9 = vector.load %arg2[%get3A_7, %get3A_8] : memref<16x64000xf32, #tpu.memory_space<vmem>>, vector<16x64000xf32>
    %mul3A = vector.broadcast %get3A_6 : vector<1x64000xf32> to vector<16x64000xf32>
    %mul3A_10 = arith.mulf %mul3A, %get3A_9 : vector<16x64000xf32>
    %reduce_sum3A = arith.constant dense<0.000000e+00> : vector<16xf32>
    %reduce_sum3A_11 = vector.multi_reduction <add>, %mul3A_10, %reduce_sum3A [1] : vector<16x64000xf32> to vector<16xf32>
    %broadcast_in_dim3A = vector.shape_cast %reduce_sum3A_11 : vector<16xf32> to vector<16x1xf32>
    %add3A = arith.addf %get3A_3, %broadcast_in_dim3A : vector<16x1xf32>
    %swap3A = arith.constant 0 : index
    %swap3A_12 = arith.constant 0 : index
    %swap3A_13 = vector.load %arg4[%swap3A, %swap3A_12] : memref<16x1xf32, #tpu.memory_space<vmem>>, vector<16x1xf32>
    tpu.vector_store %arg4[%swap3A, %swap3A_12], %add3A {strides = array<i32>} : memref<16x1xf32, #tpu.memory_space<vmem>>, vector<16x1xf32>,
    return
  }
  func.func @transform_0(%arg0: i32) -> (i32, i32) {
    %c0_i32 = arith.constant 0 : i32
    %c0_i32_0 = arith.constant 0 : i32
    return %c0_i32, %arg0 : i32, i32
  }
  func.func @transform_1(%arg0: i32) -> (i32, i32) {
    %c0_i32 = arith.constant 0 : i32
    %c0_i32_0 = arith.constant 0 : i32
    return %c0_i32, %arg0 : i32, i32
  }
  func.func @transform_2(%arg0: i32) -> (i32, i32) {
    %c0_i32 = arith.constant 0 : i32
    %c0_i32_0 = arith.constant 0 : i32
    %c0_i32_1 = arith.constant 0 : i32
    return %c0_i32, %c0_i32_0 : i32, i32
  }
  func.func @transform_3(%arg0: i32) -> (i32, i32) {
    %c0_i32 = arith.constant 0 : i32
    %c0_i32_0 = arith.constant 0 : i32
    %c0_i32_1 = arith.constant 0 : i32
    return %c0_i32, %c0_i32_0 : i32, i32
  }
}

</mosaic_0001>

<sc_bundles>
// kernel: kernel.12.cloned.1.call-start
scs
__scs_entry_jumppad:
0x0: {  	(pc) =	sbr.rel $0x88, $3  }
0x1: {  	(tag) =	ssettag $0x0;
	lr =	simm.s32 $0x1  }
0x2: {  	[smem:$0x3F99] =	sst lr;
	_ =	strace $0xD0000000  }
0x3: {  	_ = 	snop  }
0x4: {  	_ = 	snop  }
0x5: {  	_ = 	snop  }
0x6: {  	_ = 	snop  }
0x7: {  	_ = 	snop  }
__scs_overlays_trampoline_lowered:
0x8: {  	[smem:$0x3FA8] =	sst s0  }
0x9: {  	[smem:$0x3FA9] =	sst s1  }
0xa: {  	[smem:$0x3FAA] =	sst s2  }
0xb: {  	[smem:$0x3FAB] =	sst s3  }
0xc: {  	[smem:$0x3FAC] =	sst s4  }
0xd: {  	[smem:$0x3FAD] =	sst s5  }
0xe: {  	[smem:$0x3FAE] =	sst s6  }
0xf: {  	[smem:$0x3FAF] =	sst s7  }
0x10: {  	[smem:$0x3FB0] =	sst s8  }
0x11: {  	[smem:$0x3FB1] =	sst s9;
	s0 =	simm.s32 @!p0 $0x0  }
0x12: {  	s1 =	sld [smem:$0x3F97];
	s0 =	simm.s32 @p0 $0x1  }
0x13: {  	[smem:$0x3FB2] =	sst s0;
	s0 =	simm.s32 @!p1 $0x0  }
0x14: {  	s2 =	sld [smem:$0x3F96];
	s0 =	simm.s32 @p1 $0x1  }
0x15: {  	[smem:$0x3FB3] =	sst s0;
	s0 =	simm.s32 @!p2 $0x0  }
0x16: {  	s3 =	sld [smem:$0x3FDB];
	s0 =	simm.s32 @p2 $0x1  }
0x17: {  	s4 =	simm.s32 $0x1BF5;
	[smem:$0x3FB5] =	sst s0  }
0x18: {  	s0 =	sld [smem:$0x3F98];
	_ =	swait.ge [sflag:s4], $0x0  }
0x19: {  	s7 =	sld [smem:$0x3F99]  }
0x1a: {  	s8 =	sadd.s32 $0xFFFFE003, lr  }
0x1b: {  	s9 =	sadd.s32 $0xFFFFFEF7, lr;
	s5 =	simm.s32 $0xFFFFFFFF;
	p2 =	slt.u32 s8, $0xFFFFF086  }
0x1c: {  	p1 =	slt.u32 s9, $0xF7A;
	s5 =	simm.s32 @!p2 $0x0  }
0x1d: {  	s5 =	simm.s32 @p1 $0x1;
	p0 =	seq.s32 s7, s2  }
0x1e: {  	s7 =	smul.u32 @!p0 $0xF7A, s2;
	p2 =	seq.s32 @!p0 s5, $0x0  }
0x1f: {  	s9 =	smul.u32 $0xF7A, s1;
	s8 =	simm.s32 @!p0 $0x1BF5;
	p2 =	por !p2, p0  }
0x20: {  	[sflag:s8] =	ssyncset.s32 @!p0 $0xFFFFF086;
	s6 =	sadd.s32 @!p0 s3, s7;
	s7 =	simm.s32 @!p0 $0x108  }
0x21: {  	s3 =	sadd.s32 s3, s9;
	s6 =	sadd.s32 @!p0 $0x88, s6;
	s7 =	simm.s32 @p2 $0x1082  }
0x22: {  	[simem:s7], [sflag:s8] =	dma.local @!p0 [hbm:s6], $0xF7A  }
0x23: {  	s9 =	sor.u32 $0xD0000000, s2;
	s6 =	simm.s32 $0x108;
	_ =	swait.ge @!p0 [sflag:s8], $0x0  }
0x24: {  	s3 =	sadd.s32 $0x88, s3;
	s6 =	simm.s32 @!p1 $0x1082;
	[sflag:s4] =	ssyncset.s32 $0xFFFFF086  }
0x25: {  	[simem:s6], [sflag:s4] =	dma.local [hbm:s3], $0xF7A  }
0x26: {  	[smem:$0x3F99] =	sst s1;
	(tag) =	ssettag s2;
	_ =	strace s9  }
0x27: {  	s1 =	sld [smem:$0x3FA9]  }
0x28: {  	s2 =	sld [smem:$0x3FAA]  }
0x29: {  	s4 =	sld [smem:$0x3FAC]  }
0x2a: {  	p0 =	seq.s32 s5, $0x0;
	s5 =	sld [smem:$0x3FAD]  }
0x2b: {  	s6 =	sld [smem:$0x3FAE]  }
0x2c: {  	s7 =	sld [smem:$0x3FAF]  }
0x2d: {  	s3 =	simm.s32 $0x108;
	s8 =	sld [smem:$0x3FB0]  }
0x2e: {  	s3 =	simm.s32 @!p0 $0x1082;
	s9 =	sld [smem:$0x3FB1]  }
0x2f: {  	lr =	sadd.s32 s0, s3;
	s0 =	sld [smem:$0x3FA8]  }
0x30: {  	s3 =	sld [smem:$0x3FAB]  }
0x31: {  	[smem:$0x3FB4] =	sst s10  }
0x32: {  	s10 =	sld [smem:$0x3FB2];
	_ =	sdelay $0x3  }
0x33: {  	p0 =	seq.s32 s10, $0x1;
	s10 =	sld [smem:$0x3FB4];
	_ =	sdelay $0x3  }
0x34: {  	[smem:$0x3FB4] =	sst s10  }
0x35: {  	s10 =	sld [smem:$0x3FB3];
	_ =	sdelay $0x3  }
0x36: {  	p1 =	seq.s32 s10, $0x1;
	s10 =	sld [smem:$0x3FB4];
	_ =	sdelay $0x3  }
0x37: {  	[smem:$0x3FB4] =	sst s10  }
0x38: {  	s10 =	sld [smem:$0x3FB5]  }
0x39: {  	_ = 	snop;
	(pc) =	sbr.ind lr, $3  }
0x3a: {  	_ = 	snop  }
0x3b: {  	_ = 	snop  }
0x3c: {  	p2 =	seq.s32 s10, $0x1;
	s10 =	sld [smem:$0x3FB4]  }
0x3d: {  	_ =	shalt  }
0x3e: {  	_ =	shalt  }
0x3f: {  	_ =	shalt  }
0x40: {  	_ =	shalt  }
0x41: {  	_ =	shalt  }
0x42: {  	_ =	shalt  }
0x43: {  	_ =	shalt  }
0x44: {  	_ =	shalt  }
0x45: {  	_ =	shalt  }
0x46: {  	_ =	shalt  }
0x47: {  	_ =	shalt  }
0x48: {  	_ =	shalt  }
0x49: {  	_ =	shalt  }
0x4a: {  	_ =	shalt  }
0x4b: {  	_ =	shalt  }
0x4c: {  	_ =	shalt  }
0x4d: {  	_ =	shalt  }
0x4e: {  	_ =	shalt  }
0x4f: {  	_ =	shalt  }
0x50: {  	_ =	shalt  }
0x51: {  	_ =	shalt  }
0x52: {  	_ =	shalt  }
0x53: {  	_ =	shalt  }
0x54: {  	_ =	shalt  }
0x55: {  	_ =	shalt  }
0x56: {  	_ =	shalt  }
0x57: {  	_ =	shalt  }
0x58: {  	_ =	shalt  }
0x59: {  	_ =	shalt  }
0x5a: {  	_ =	shalt  }
0x5b: {  	_ =	shalt  }
0x5c: {  	_ =	shalt  }
0x5d: {  	_ =	shalt  }
0x5e: {  	_ =	shalt  }
0x5f: {  	_ =	shalt  }
0x60: {  	_ =	shalt  }
0x61: {  	_ =	shalt  }
0x62: {  	_ =	shalt  }
0x63: {  	_ =	shalt  }
0x64: {  	_ =	shalt  }
0x65: {  	_ =	shalt  }
0x66: {  	_ =	shalt  }
0x67: {  	_ =	shalt  }
0x68: {  	_ =	shalt  }
0x69: {  	_ =	shalt  }
0x6a: {  	_ =	shalt  }
0x6b: {  	_ =	shalt  }
0x6c: {  	_ =	shalt  }
0x6d: {  	_ =	shalt  }
0x6e: {  	_ =	shalt  }
0x6f: {  	_ =	shalt  }
0x70: {  	_ =	shalt  }
0x71: {  	_ =	shalt  }
0x72: {  	_ =	shalt  }
0x73: {  	_ =	shalt  }
0x74: {  	_ =	shalt  }
0x75: {  	_ =	shalt  }
0x76: {  	_ =	shalt  }
0x77: {  	_ =	shalt  }
0x78: {  	_ =	shalt  }
0x79: {  	_ =	shalt  }
0x7a: {  	_ =	shalt  }
0x7b: {  	_ =	shalt  }
0x7c: {  	_ =	shalt  }
0x7d: {  	_ =	shalt  }
0x7e: {  	_ =	shalt  }
0x7f: {  	_ =	shalt  }
0x80: {  	_ =	shalt  }
0x81: {  	_ =	shalt  }
0x82: {  	_ =	shalt  }
0x83: {  	_ =	shalt  }
0x84: {  	_ =	shalt  }
0x85: {  	_ =	shalt  }
0x86: {  	_ =	shalt  }
0x87: {  	_ =	shalt  }
.Lfunc_end0:
.L_simem_size_0:
called_computation.1_lowered:
.L_overlay_start_0:
0x88: {  	s2 =	sld [smem:$0x3FD9]  }
0x89: {  	s3 =	sld [smem:$0x3FFE];
	_ =	sdelay $0x1  }
0x8a: {  	s1 =	srdreg.scid  }
0x8b: {  	s0 =	sand.u32 $0x1, s1  }
0x8c: {  	s16 =	sshll.u32 s0, $0xA;
	s2 =	sadd.s32 s3, s2  }
0x8d: {  	s2 =	sadd.s32 s2, s16  }
0x8e: {  	[smem:$0x3FC0] =	sst s2  }
0x8f: {  	_ = 	snop  }
0x90: {  	(tm) =	ssettm $0x1  }
0x91: {  	s17 =	sld [smem:$0x3FFB];
	_ =	sdelay $0x3  }
0x92: {  	_ =	strace s17  }
0x93: {  	s2 =	sld [smem:$0x3FFC];
	_ =	sdelay $0x3  }
0x94: {  	_ =	strace s2  }
0x95: {  	s2 =	sld [smem:$0x3FFD];
	_ =	sdelay $0x3  }
0x96: {  	_ =	strace s2  }
0x97: {  	_ =	strace $0x8FFFFFFF  }
0x98: {  	s18 =	sld [smem:$0x3FDB];
	_ =	sdelay $0x1  }
0x99: {  	s19 =	simm.s32 $_scs_section_size  }
0x9a: {  	s4 =	simm.s32 $_size__tile_overlayer_lowered;
	s5 =	simm.s32 $_tile_overlayer_lowered  }
0x9b: {  	s22 =	simm.s32 $0x1BFF;
	s21 =	sshll.u32 s5, $0x1;
	s2 =	sadd.s32 s19, s18  }
0x9c: {  	s6 =	simm.s32 $0x0;
	s20 =	sshll.u32 s4, $0x1;
	s4 =	sadd.s32 s21, s2  }
0x9d: {  	[timem:s6], [sflag:s22] =	dma.local [hbm:s4], s20  }
0x9e: {  	_ =	swait.ge [sflag:s22], s20  }
0x9f: {  	s3 =	ssub.s32 $0x0, s20;
	[sflag:s22] =	ssyncset.done $0x0  }
0xa0: {  	[sflag:s22] =	ssyncadd.s32 s3;
	_ =	sdelay $0x1  }
0xa1: {  	s23 =	simm.s32 $0x1B8B  }
0xa2: {  	_ =	swait.ge [sflag:s23], $0x1  }
0xa3: {  	[sflag:s23] =	ssyncset.done $0x0  }
0xa4: {  	s25 =	simm.s32 $0x1B8E;
	s24 =	sld [smem:$0x3FFE];
	[sflag:s23] =	ssyncadd.s32 $0xFFFFFFFF  }
0xa5: {  	s26 =	simm.s32 $execute0_lowered;
	[smem:$0x3FD2] =	sst s25  }
0xa6: {  	s4 =	sshll.u32 s26, $0x1;
	_ =	strace $0x80000049;
	[dreg:$0x1] =	wrdreg $0xFFFFFFFF  }
0xa7: {  	s28 =	simm.s32 $_size_execute0_lowered;
	s2 =	sadd.s32 s2, s4;
	[dreg:$0x0] =	wrdreg $0x0  }
0xa8: {  	s4 =	sshll.u32 s28, $0x1;
	[dreg:$0x2] =	wrdreg s2  }
0xa9: {  	[dreg:$0x3] =	wrdreg s4  }
0xaa: {  	[dreg:$0x4] =	wrdreg $0xC0  }
0xab: {  	_ =	task [dreg:s6], $0x5FFFF  }
0xac: {  	[dreg:$0x1] =	wrdreg $0xFFFFFFFF  }
0xad: {  	[dreg:$0x0] =	wrdreg $0x60  }
0xae: {  	[dreg:$0x2] =	wrdreg s24  }
0xaf: {  	[dreg:$0x3] =	wrdreg $0xA0000  }
0xb0: {  	[dreg:$0x4] =	wrdreg $0x9  }
0xb1: {  	_ =	task.clear_ibuf [dreg:s6], $0x5FFFF;
	_ =	strace $0x90000049  }
0xb2: {  	s29 =	simm.s32 $0x9;
	_ =	strace $0x8000004B  }
0xb3: {  	_ =	swait.ge [sflag:s29], $0x1  }
0xb4: {  	[sflag:s29] =	ssyncadd.s32 $0xFFFFFFFF  }
0xb5: {  	_ =	strace $0x9000004B  }
0xb6: {  	_ =	sfence  }
0xb7: {  	s30 =	sld [smem:$0x0];
	_ =	sdelay $0x2  }
0xb8: {  	s31 =	sshll.u32 s1, $0xD;
	s1 =	sshrl.u32 s1, $0x2  }
0xb9: {  	s3 =	sand.u32 $0x4000, s31;
	s1 =	sadd.s32 s1, s30  }
0xba: {  	s0 =	sor.u32 s3, s0;
	s1 =	sshll.u32 s1, $0x11  }
0xbb: {  	s0 =	sor.u32 s1, s0  }
0xbc: {  	s0 =	sadd.s32 $0x8F2B, s0  }
0xbd: {  	[sflag:s0] =	ssyncadd.remote.s32 $0x1  }
0xbe: {  	_ =	sfence.sel $0xFFFF  }
0xbf: {  	[dreg:$0x0] =	wrdreg $0xFFFFFFFF;
	(pc) =	sbr.abs _section_cstart, $3  }
0xc0: {  	[dreg:$0x1] =	wrdreg $0xFFFFFFFF  }
0xc1: {  	_ =	task.clear_ibuf [dreg:s6], $0x2FFFF;
	_ =	strace $0x9FFFFFFF  }
0xc2: {  	(tm) =	ssettm $0x7FFFFFFF  }
0xc3: {  	_ =	shalt  }
tec
execute0_lowered:
.L_overlay_start_1:
0x0: {  	(tag) =	ssettag $0x1  }
0x1: {  	s0 =	rddreg [dreg:$0x0]  }
0x2: {  	s2 =	rddreg [dreg:$0x1]  }
0x3: {  	s11 =	stileid.u32;
	s1 =	srdreg.scid;
	s3 =	simm.s32 $0x0  }
0x4: {  	s13 =	simm.s32 $0x5;
	s14 =	simm.s32 $0x1000;
	s15 =	simm.s32 $0x40  }
0x5: {  	s16 =	simm.s32 $0x2000;
	s17 =	simm.s32 $0x80;
	s18 =	simm.s32 $0x4000  }
0x6: {  	s19 =	simm.s32 $0x100;
	s20 =	simm.s32 $0x6000;
	s21 =	simm.s32 $0x180  }
0x7: {  	s22 =	simm.s32 $0x8000;
	s28 =	simm.s32 $0x1E00;
	s29 =	simm.s32 $0x1E80  }
0x8: {  	s30 =	simm.s32 $0x1F00;
	s31 =	simm.s32 $0x1F80;
	s7 =	smul.u32 $0x14000, s11  }
0x9: {  	s1 =	sand.u32 $0x1, s1;
	[smem:$0x7FF] =	sst s3;
	s4 =	sadd.s32 $0x20800, s0  }
0xa: {  	s5 =	sadd.s32 $0xC800, s0;
	s6 =	sadd.s32 $0x34800, s0;
	s10 =	smul.u32 $0x50000, s11  }
0xb: {  	s25 =	sshll.u32 s11, $0x1;
	s26 =	sshll.u32 s11, $0x6;
	s8 =	smul.u32 $0x140000, s1  }
0xc: {  	_ =	strace $0x8000004A;
	s23 =	ssub.s32 $0x2, s1;
	s1 =	sor.u32 s1, s25  }
0xd: {  	s25 =	simm.s32 $0x3;
	s9 =	sshrl.u32 s7, $0x3;
	s24 =	sshrl.u32 s23, $0x1  }
0xe: {  	s10 =	sshrl.u32 s10, $0x2;
	s7 =	sadd.s32 s7, s8;
	s9 =	sadd.s32 s9, s0  }
0xf: {  	s12 =	sadd.s32 s10, s2;
	s8 =	sor.u32 $0x1C05, s26;
	s26 =	simm.s32 $0x4  }
0x10: {  	s7 =	sshrl.u32 s7, $0x3;
	s9 =	sadd.s32 $0x5C800, s9;
	s12 =	sshrl.u32 s12, $0x3  }
0x11: {  	s0 =	sadd.s32 s7, s0;
	s7 =	ssub.s32 s23, s24;
	[dreg:$0x3] =	wrdreg s9  }
0x12: {  	s9 =	smul.u32 $0x5000, s1;
	s23 =	simm.s32 $0x1;
	s0 =	sadd.s32 $0x84800, s0  }
0x13: {  	s24 =	simm.s32 $0x2;
	s11 =	smax.u32 s7, $0x1;
	[dreg:$0x4] =	wrdreg s0  }
.LBB2_1:
0x14: {  	s0 =	rddreg [dreg:$0x3]  }
0x15: {  	[spmem:s12], [sflag:s8] =	dma.local [hbm:s0], $0x2800  }
0x16: {  	_ =	swait.ge [sflag:s13], $0x2800  }
0x17: {  	[sflag:s13] =	ssyncset.done $0x0  }
0x18: {  	[sflag:s13] =	ssyncadd.s32 $0xFFFFD800  }
0x19: {  	s0 =	simm.s32 $0x0;
	[bflag:$0x0] =	sbarrier.arrive $0xFFFF  }
.LBB2_2:
0x1a: {  	s1 =	sshll.u32 s0, $0xC  }
0x1b: {  	s1 =	sadd.s32 s9, s1  }
0x1c: {  	s1 =	sshrl.u32 s1, $0x3  }
0x1d: {  	s10 =	simm.s32 $0x0;
	s7 =	sadd.s32 s4, s1  }
0x1e: {  	[tilespmem:s10], [sflag:$0x5] =	stream.linear.gather [hbm4b:s7+s10], $0x1000, $0x38;
	[tilespmem:$0x1E000] =	vst v63  }
0x1f: {  	_ =	swait.ge [sflag:s13], $0x1000  }
0x20: {  	[sflag:s13] =	ssyncset.done $0x0  }
0x21: {  	s1 =	sadd.s32 s5, s1;
	[sflag:s13] =	ssyncadd.s32 $0xFFFFF000  }
0x22: {  	[tilespmem:s14], [sflag:$0x5] =	stream.linear.gather [hbm4b:s1+s10], $0x1000, $0x38;
	[tilespmem:$0x1E000] =	vst v63  }
0x23: {  	_ =	swait.ge [sflag:s13], $0x1000  }
0x24: {  	[sflag:s13] =	ssyncset.done $0x0  }
0x25: {  	[sflag:s13] =	ssyncadd.s32 $0xFFFFF000  }
0x26: {  	[tilespmem:s16], [sflag:$0x1] =	stream.indirect.gather [hbm4b:s6+s15], $0x80, s10, s15, $0xb8;
	[tilespmem:$0x1E000] =	vst v63  }
0x27: {  	_ = 	snop  }
0x28: {  	[tilespmem:s18], [sflag:$0x2] =	stream.indirect.gather [hbm4b:s6+s15], $0x80, s17, s15, $0xb8;
	[tilespmem:$0x1E000] =	vst v63  }
0x29: {  	_ = 	snop  }
0x2a: {  	[tilespmem:s20], [sflag:$0x3] =	stream.indirect.gather [hbm4b:s6+s15], $0x80, s19, s15, $0xb8;
	[tilespmem:$0x1E000] =	vst v63  }
0x2b: {  	_ = 	snop  }
0x2c: {  	[tilespmem:s22], [sflag:$0x4] =	stream.indirect.gather [hbm4b:s6+s15], $0x80, s21, s15, $0xb8;
	[tilespmem:$0x1E000] =	vst v63  }
0x2d: {  	_ =	swait.ge [sflag:s23], $0x2000  }
0x2e: {  	[sflag:s23] =	ssyncset.done $0x0  }
0x2f: {  	s10 =	simm.s32 $0x1000;
	[sflag:s23] =	ssyncadd.s32 $0xFFFFE000  }
0x30: {  	[spmem:s2] =	stream.indirect.scatter.add.f32 [tilespmem:s16], [sflag:$0x5], $0x80, s10, s15, $0xb8;
	[tilespmem:$0x1E000] =	vst v63  }
0x31: {  	_ =	swait.ge [sflag:s13], $0x2000  }
0x32: {  	[sflag:s13] =	ssyncset.done $0x0  }
0x33: {  	s7 =	simm.s32 $0x200;
	[sflag:s13] =	ssyncadd.s32 $0xFFFFE000  }
0x34: {  	[tilespmem:s16], [sflag:$0x1] =	stream.indirect.gather [hbm4b:s6+s15], $0x80, s7, s15, $0xb8;
	[tilespmem:$0x1E000] =	vst v63  }
0x35: {  	_ =	swait.ge [sflag:s24], $0x2000  }
0x36: {  	[sflag:s24] =	ssyncset.done $0x0  }
0x37: {  	s10 =	simm.s32 $0x1080;
	[sflag:s24] =	ssyncadd.s32 $0xFFFFE000  }
0x38: {  	[spmem:s2] =	stream.indirect.scatter.add.f32 [tilespmem:s18], [sflag:$0x5], $0x80, s10, s15, $0xb8;
	[tilespmem:$0x1E000] =	vst v63  }
0x39: {  	_ =	swait.ge [sflag:s13], $0x2000  }
0x3a: {  	[sflag:s13] =	ssyncset.done $0x0  }
0x3b: {  	s7 =	simm.s32 $0x280;
	[sflag:s13] =	ssyncadd.s32 $0xFFFFE000  }
0x3c: {  	[tilespmem:s18], [sflag:$0x2] =	stream.indirect.gather [hbm4b:s6+s15], $0x80, s7, s15, $0xb8;
	[tilespmem:$0x1E000] =	vst v63  }
0x3d: {  	_ =	swait.ge [sflag:s25], $0x2000  }
0x3e: {  	[sflag:s25] =	ssyncset.done $0x0  }
0x3f: {  	s10 =	simm.s32 $0x1100;
	[sflag:s25] =	ssyncadd.s32 $0xFFFFE000  }
0x40: {  	[spmem:s2] =	stream.indirect.scatter.add.f32 [tilespmem:s20], [sflag:$0x5], $0x80, s10, s15, $0xb8;
	[tilespmem:$0x1E000] =	vst v63  }
0x41: {  	_ =	swait.ge [sflag:s13], $0x2000  }
0x42: {  	[sflag:s13] =	ssyncset.done $0x0  }
0x43: {  	s7 =	simm.s32 $0x300;
	[sflag:s13] =	ssyncadd.s32 $0xFFFFE000  }
0x44: {  	[tilespmem:s20], [sflag:$0x3] =	stream.indirect.gather [hbm4b:s6+s15], $0x80, s7, s15, $0xb8;
	[tilespmem:$0x1E000] =	vst v63  }
0x45: {  	_ =	swait.ge [sflag:s26], $0x2000  }
0x46: {  	[sflag:s26] =	ssyncset.done $0x0  }
0x47: {  	s10 =	simm.s32 $0x1180;
	[sflag:s26] =	ssyncadd.s32 $0xFFFFE000  }
0x48: {  	[spmem:s2] =	stream.indirect.scatter.add.f32 [tilespmem:s22], [sflag:$0x5], $0x80, s10, s15, $0xb8;
	[tilespmem:$0x1E000] =	vst v63  }
0x49: {  	_ =	swait.ge [sflag:s13], $0x2000  }
0x4a: {  	[sflag:s13] =	ssyncset.done $0x0  }
0x4b: {  	s1 =	simm.s32 $0x800;
	s7 =	simm.s32 $0x380;
	[sflag:s13] =	ssyncadd.s32 $0xFFFFE000  }
.LBB2_3:
0x4c: {  	[tilespmem:s22], [sflag:$0x4] =	stream.indirect.gather [hbm4b:s6+s15], $0x80, s7, s15, $0xb8;
	[tilespmem:$0x1E000] =	vst v63  }
0x4d: {  	s7 =	smov.u32 s1  }
0x4e: {  	p0 =	sne.s32 s1, $0x3000;
	s1 =	sadd.s32 $0x800, s1;
	_ =	swait.ge [sflag:s23], $0x2000  }
0x4f: {  	s7 =	sshra.s32 s7, $0x2;
	[sflag:s23] =	ssyncset.done $0x0  }
0x50: {  	s10 =	sadd.s32 $0x1000, s7;
	[sflag:s23] =	ssyncadd.s32 $0xFFFFE000  }
0x51: {  	[spmem:s2] =	stream.indirect.scatter.add.f32 [tilespmem:s16], [sflag:$0x5], $0x80, s10, s15, $0xb8;
	[tilespmem:$0x1E000] =	vst v63  }
0x52: {  	_ =	swait.ge [sflag:s13], $0x2000  }
0x53: {  	[sflag:s13] =	ssyncset.done $0x0  }
0x54: {  	s10 =	sadd.s32 $0x200, s7;
	[sflag:s13] =	ssyncadd.s32 $0xFFFFE000  }
0x55: {  	[tilespmem:s16], [sflag:$0x1] =	stream.indirect.gather [hbm4b:s6+s15], $0x80, s10, s15, $0xb8;
	[tilespmem:$0x1E000] =	vst v63  }
0x56: {  	_ =	swait.ge [sflag:s24], $0x2000  }
0x57: {  	[sflag:s24] =	ssyncset.done $0x0  }
0x58: {  	s10 =	sadd.s32 $0x1080, s7;
	[sflag:s24] =	ssyncadd.s32 $0xFFFFE000  }
0x59: {  	[spmem:s2] =	stream.indirect.scatter.add.f32 [tilespmem:s18], [sflag:$0x5], $0x80, s10, s15, $0xb8;
	[tilespmem:$0x1E000] =	vst v63  }
0x5a: {  	_ =	swait.ge [sflag:s13], $0x2000  }
0x5b: {  	[sflag:s13] =	ssyncset.done $0x0  }
0x5c: {  	s10 =	sadd.s32 $0x280, s7;
	[sflag:s13] =	ssyncadd.s32 $0xFFFFE000  }
0x5d: {  	[tilespmem:s18], [sflag:$0x2] =	stream.indirect.gather [hbm4b:s6+s15], $0x80, s10, s15, $0xb8;
	[tilespmem:$0x1E000] =	vst v63  }
0x5e: {  	_ =	swait.ge [sflag:s25], $0x2000  }
0x5f: {  	[sflag:s25] =	ssyncset.done $0x0  }
0x60: {  	s10 =	sadd.s32 $0x1100, s7;
	[sflag:s25] =	ssyncadd.s32 $0xFFFFE000  }
0x61: {  	[spmem:s2] =	stream.indirect.scatter.add.f32 [tilespmem:s20], [sflag:$0x5], $0x80, s10, s15, $0xb8;
	[tilespmem:$0x1E000] =	vst v63  }
0x62: {  	_ =	swait.ge [sflag:s13], $0x2000  }
0x63: {  	[sflag:s13] =	ssyncset.done $0x0  }
0x64: {  	s10 =	sadd.s32 $0x300, s7;
	[sflag:s13] =	ssyncadd.s32 $0xFFFFE000  }
0x65: {  	[tilespmem:s20], [sflag:$0x3] =	stream.indirect.gather [hbm4b:s6+s15], $0x80, s10, s15, $0xb8;
	[tilespmem:$0x1E000] =	vst v63  }
0x66: {  	_ =	swait.ge [sflag:s26], $0x2000  }
0x67: {  	[sflag:s26] =	ssyncset.done $0x0  }
.Ltmp0:
0x68: {  	s10 =	sadd.s32 $0x1180, s7;
	[sflag:s26] =	ssyncadd.s32 $0xFFFFE000;
	(pc) =	sbr.rel @p0 .LBB2_3-.Ltmp0, $4  }
0x69: {  	[spmem:s2] =	stream.indirect.scatter.add.f32 [tilespmem:s22], [sflag:$0x5], $0x80, s10, s15, $0xb8;
	[tilespmem:$0x1E000] =	vst v63  }
0x6a: {  	_ =	swait.ge [sflag:s13], $0x2000  }
0x6b: {  	[sflag:s13] =	ssyncset.done $0x0  }
0x6c: {  	s7 =	sadd.s32 $0x380, s7;
	[sflag:s13] =	ssyncadd.s32 $0xFFFFE000  }
0x6d: {  	[tilespmem:s22], [sflag:$0x4] =	stream.indirect.gather [hbm4b:s6+s15], $0x80, s7, s15, $0xb8;
	[tilespmem:$0x1E000] =	vst v63  }
0x6e: {  	_ =	swait.ge [sflag:s23], $0x2000  }
0x6f: {  	[sflag:s23] =	ssyncset.done $0x0  }
0x70: {  	[sflag:s23] =	ssyncadd.s32 $0xFFFFE000  }
0x71: {  	[spmem:s2] =	stream.indirect.scatter.add.f32 [tilespmem:s16], [sflag:$0x5], $0x80, s28, s15, $0xb8;
	[tilespmem:$0x1E000] =	vst v63  }
0x72: {  	_ =	swait.ge [sflag:s13], $0x2000  }
0x73: {  	[sflag:s13] =	ssyncset.done $0x0  }
0x74: {  	[sflag:s13] =	ssyncadd.s32 $0xFFFFE000  }
0x75: {  	_ =	swait.ge [sflag:s24], $0x2000  }
0x76: {  	[sflag:s24] =	ssyncset.done $0x0  }
0x77: {  	[sflag:s24] =	ssyncadd.s32 $0xFFFFE000  }
0x78: {  	[spmem:s2] =	stream.indirect.scatter.add.f32 [tilespmem:s18], [sflag:$0x5], $0x80, s29, s15, $0xb8;
	[tilespmem:$0x1E000] =	vst v63  }
0x79: {  	_ =	swait.ge [sflag:s13], $0x2000  }
0x7a: {  	[sflag:s13] =	ssyncset.done $0x0  }
0x7b: {  	[sflag:s13] =	ssyncadd.s32 $0xFFFFE000  }
0x7c: {  	_ =	swait.ge [sflag:s25], $0x2000  }
0x7d: {  	[sflag:s25] =	ssyncset.done $0x0  }
0x7e: {  	[sflag:s25] =	ssyncadd.s32 $0xFFFFE000  }
0x7f: {  	[spmem:s2] =	stream.indirect.scatter.add.f32 [tilespmem:s20], [sflag:$0x5], $0x80, s30, s15, $0xb8;
	[tilespmem:$0x1E000] =	vst v63  }
0x80: {  	_ =	swait.ge [sflag:s13], $0x2000  }
0x81: {  	[sflag:s13] =	ssyncset.done $0x0  }
0x82: {  	[sflag:s13] =	ssyncadd.s32 $0xFFFFE000  }
0x83: {  	s0 =	sadd.s32 $0x1, s0;
	_ =	swait.ge [sflag:s26], $0x2000  }
0x84: {  	p0 =	sne.s32 s0, $0x5;
	[sflag:s26] =	ssyncset.done $0x0  }
.Ltmp1:
0x85: {  	[sflag:s26] =	ssyncadd.s32 $0xFFFFE000;
	(pc) =	sbr.rel @p0 .LBB2_2-.Ltmp1, $4  }
0x86: {  	[spmem:s2] =	stream.indirect.scatter.add.f32 [tilespmem:s22], [sflag:$0x5], $0x80, s31, s15, $0xb8;
	[tilespmem:$0x1E000] =	vst v63  }
0x87: {  	_ =	swait.ge [sflag:s13], $0x2000  }
0x88: {  	[sflag:s13] =	ssyncset.done $0x0  }
0x89: {  	[sflag:s13] =	ssyncadd.s32 $0xFFFFE000  }
0x8a: {  	s3 =	sadd.s32 $0x1, s3  }
0x8b: {  	[bflag:$0x0] =	sbarrier.arrive $0xFFFF;
	p0 =	sne.s32 s3, s11  }
.Ltmp2:
0x8c: {  	s0 =	rddreg [dreg:$0x4];
	(pc) =	sbr.rel @p0 .LBB2_1-.Ltmp2, $4  }
0x8d: {  	[hbm:s0], [sflag:s8] =	dma.local [spmem:s12], $0x2800  }
0x8e: {  	_ =	swait.ge [sflag:s13], $0x2800  }
0x8f: {  	[sflag:s13] =	ssyncset.done $0x0  }
0x90: {  	[sflag:s13] =	ssyncadd.s32 $0xFFFFD800  }
0x91: {  	_ =	sfence.sel $0x180000  }
0x92: {  	[bflag:$0x0] =	sbarrier.arrive $0xFFFF  }
0x93: {  	_ =	strace $0x9000004A  }
0x94: {  	s0 =	stileid.u32;
	[bflag:$0x2] =	sbarrier.arrive $0xFFFF  }
0x95: {  	p0 =	sne.s32 s0, $0x0;
	s0 =	rddreg [dreg:$0x2]  }
0x96: {  	s0 =	sadd.s32 @!p0 $0x100000, s0  }
0x97: {  	[sflag:s0] =	ssyncadd.tile.s32 @!p0 $0x1;
	_ =	shalt  }
.Lfunc_end2:
_tile_overlayer_lowered:
.L_overlay_start_2:
0x98: {  	(tag) =	ssettag $0x2  }
0x99: {  	s0 =	rddreg [dreg:$0x0];
	s2 =	stileid.u32  }
0x9a: {  	s1 =	rddreg [dreg:$0x1];
	p0 =	sne.s32 s2, $0x0  }
0x9b: {  	s3 =	rddreg [dreg:$0x2];
	[bflag:$0x3] =	sbarrier.arrive $0xFFFF;
	s2 =	simm.s32 @!p0 $0x1C05  }
0x9c: {  	[timem:s3], [sflag:s2] =	dma.local @!p0 [hbm:s0], s1  }
0x9d: {  	s0 =	simm.s32 @!p0 $0x5  }
0x9e: {  	_ =	swait.ge @!p0 [sflag:s0], s1  }
0x9f: {  	s1 =	ssub.s32 @!p0 $0x0, s1;
	[sflag:s0] =	ssyncset.done @!p0 $0x0  }
0xa0: {  	[sflag:s0] =	ssyncadd.s32 @!p0 s1  }
0xa1: {  	[bflag:$0x3] =	sbarrier.arrive $0xFFFF  }
0xa2: {  	_ =	shalt  }

// kernel: kernel.15.cloned.1.call-start
scs
__scs_entry_jumppad:
0x0: {  	(pc) =	sbr.rel $0x88, $3  }
0x1: {  	(tag) =	ssettag $0x0;
	lr =	simm.s32 $0x1  }
0x2: {  	[smem:$0x3F99] =	sst lr;
	_ =	strace $0xD0000000  }
0x3: {  	_ = 	snop  }
0x4: {  	_ = 	snop  }
0x5: {  	_ = 	snop  }
0x6: {  	_ = 	snop  }
0x7: {  	_ = 	snop  }
__scs_overlays_trampoline_lowered:
0x8: {  	[smem:$0x3FA8] =	sst s0  }
0x9: {  	[smem:$0x3FA9] =	sst s1  }
0xa: {  	[smem:$0x3FAA] =	sst s2  }
0xb: {  	[smem:$0x3FAB] =	sst s3  }
0xc: {  	[smem:$0x3FAC] =	sst s4  }
0xd: {  	[smem:$0x3FAD] =	sst s5  }
0xe: {  	[smem:$0x3FAE] =	sst s6  }
0xf: {  	[smem:$0x3FAF] =	sst s7  }
0x10: {  	[smem:$0x3FB0] =	sst s8  }
0x11: {  	[smem:$0x3FB1] =	sst s9;
	s0 =	simm.s32 @!p0 $0x0  }
0x12: {  	s1 =	sld [smem:$0x3F97];
	s0 =	simm.s32 @p0 $0x1  }
0x13: {  	[smem:$0x3FB2] =	sst s0;
	s0 =	simm.s32 @!p1 $0x0  }
0x14: {  	s2 =	sld [smem:$0x3F96];
	s0 =	simm.s32 @p1 $0x1  }
0x15: {  	[smem:$0x3FB3] =	sst s0;
	s0 =	simm.s32 @!p2 $0x0  }
0x16: {  	s3 =	sld [smem:$0x3FDB];
	s0 =	simm.s32 @p2 $0x1  }
0x17: {  	s4 =	simm.s32 $0x1BF5;
	[smem:$0x3FB5] =	sst s0  }
0x18: {  	s0 =	sld [smem:$0x3F98];
	_ =	swait.ge [sflag:s4], $0x0  }
0x19: {  	s7 =	sld [smem:$0x3F99]  }
0x1a: {  	s8 =	sadd.s32 $0xFFFFE003, lr  }
0x1b: {  	s9 =	sadd.s32 $0xFFFFFEF7, lr;
	s5 =	simm.s32 $0xFFFFFFFF;
	p2 =	slt.u32 s8, $0xFFFFF086  }
0x1c: {  	p1 =	slt.u32 s9, $0xF7A;
	s5 =	simm.s32 @!p2 $0x0  }
0x1d: {  	s5 =	simm.s32 @p1 $0x1;
	p0 =	seq.s32 s7, s2  }
0x1e: {  	s7 =	smul.u32 @!p0 $0xF7A, s2;
	p2 =	seq.s32 @!p0 s5, $0x0  }
0x1f: {  	s9 =	smul.u32 $0xF7A, s1;
	s8 =	simm.s32 @!p0 $0x1BF5;
	p2 =	por !p2, p0  }
0x20: {  	[sflag:s8] =	ssyncset.s32 @!p0 $0xFFFFF086;
	s6 =	sadd.s32 @!p0 s3, s7;
	s7 =	simm.s32 @!p0 $0x108  }
0x21: {  	s3 =	sadd.s32 s3, s9;
	s6 =	sadd.s32 @!p0 $0x88, s6;
	s7 =	simm.s32 @p2 $0x1082  }
0x22: {  	[simem:s7], [sflag:s8] =	dma.local @!p0 [hbm:s6], $0xF7A  }
0x23: {  	s9 =	sor.u32 $0xD0000000, s2;
	s6 =	simm.s32 $0x108;
	_ =	swait.ge @!p0 [sflag:s8], $0x0  }
0x24: {  	s3 =	sadd.s32 $0x88, s3;
	s6 =	simm.s32 @!p1 $0x1082;
	[sflag:s4] =	ssyncset.s32 $0xFFFFF086  }
0x25: {  	[simem:s6], [sflag:s4] =	dma.local [hbm:s3], $0xF7A  }
0x26: {  	[smem:$0x3F99] =	sst s1;
	(tag) =	ssettag s2;
	_ =	strace s9  }
0x27: {  	s1 =	sld [smem:$0x3FA9]  }
0x28: {  	s2 =	sld [smem:$0x3FAA]  }
0x29: {  	s4 =	sld [smem:$0x3FAC]  }
0x2a: {  	p0 =	seq.s32 s5, $0x0;
	s5 =	sld [smem:$0x3FAD]  }
0x2b: {  	s6 =	sld [smem:$0x3FAE]  }
0x2c: {  	s7 =	sld [smem:$0x3FAF]  }
0x2d: {  	s3 =	simm.s32 $0x108;
	s8 =	sld [smem:$0x3FB0]  }
0x2e: {  	s3 =	simm.s32 @!p0 $0x1082;
	s9 =	sld [smem:$0x3FB1]  }
0x2f: {  	lr =	sadd.s32 s0, s3;
	s0 =	sld [smem:$0x3FA8]  }
0x30: {  	s3 =	sld [smem:$0x3FAB]  }
0x31: {  	[smem:$0x3FB4] =	sst s10  }
0x32: {  	s10 =	sld [smem:$0x3FB2];
	_ =	sdelay $0x3  }
0x33: {  	p0 =	seq.s32 s10, $0x1;
	s10 =	sld [smem:$0x3FB4];
	_ =	sdelay $0x3  }
0x34: {  	[smem:$0x3FB4] =	sst s10  }
0x35: {  	s10 =	sld [smem:$0x3FB3];
	_ =	sdelay $0x3  }
0x36: {  	p1 =	seq.s32 s10, $0x1;
	s10 =	sld [smem:$0x3FB4];
	_ =	sdelay $0x3  }
0x37: {  	[smem:$0x3FB4] =	sst s10  }
0x38: {  	s10 =	sld [smem:$0x3FB5]  }
0x39: {  	_ = 	snop;
	(pc) =	sbr.ind lr, $3  }
0x3a: {  	_ = 	snop  }
0x3b: {  	_ = 	snop  }
0x3c: {  	p2 =	seq.s32 s10, $0x1;
	s10 =	sld [smem:$0x3FB4]  }
0x3d: {  	_ =	shalt  }
0x3e: {  	_ =	shalt  }
0x3f: {  	_ =	shalt  }
0x40: {  	_ =	shalt  }
0x41: {  	_ =	shalt  }
0x42: {  	_ =	shalt  }
0x43: {  	_ =	shalt  }
0x44: {  	_ =	shalt  }
0x45: {  	_ =	shalt  }
0x46: {  	_ =	shalt  }
0x47: {  	_ =	shalt  }
0x48: {  	_ =	shalt  }
0x49: {  	_ =	shalt  }
0x4a: {  	_ =	shalt  }
0x4b: {  	_ =	shalt  }
0x4c: {  	_ =	shalt  }
0x4d: {  	_ =	shalt  }
0x4e: {  	_ =	shalt  }
0x4f: {  	_ =	shalt  }
0x50: {  	_ =	shalt  }
0x51: {  	_ =	shalt  }
0x52: {  	_ =	shalt  }
0x53: {  	_ =	shalt  }
0x54: {  	_ =	shalt  }
0x55: {  	_ =	shalt  }
0x56: {  	_ =	shalt  }
0x57: {  	_ =	shalt  }
0x58: {  	_ =	shalt  }
0x59: {  	_ =	shalt  }
0x5a: {  	_ =	shalt  }
0x5b: {  	_ =	shalt  }
0x5c: {  	_ =	shalt  }
0x5d: {  	_ =	shalt  }
0x5e: {  	_ =	shalt  }
0x5f: {  	_ =	shalt  }
0x60: {  	_ =	shalt  }
0x61: {  	_ =	shalt  }
0x62: {  	_ =	shalt  }
0x63: {  	_ =	shalt  }
0x64: {  	_ =	shalt  }
0x65: {  	_ =	shalt  }
0x66: {  	_ =	shalt  }
0x67: {  	_ =	shalt  }
0x68: {  	_ =	shalt  }
0x69: {  	_ =	shalt  }
0x6a: {  	_ =	shalt  }
0x6b: {  	_ =	shalt  }
0x6c: {  	_ =	shalt  }
0x6d: {  	_ =	shalt  }
0x6e: {  	_ =	shalt  }
0x6f: {  	_ =	shalt  }
0x70: {  	_ =	shalt  }
0x71: {  	_ =	shalt  }
0x72: {  	_ =	shalt  }
0x73: {  	_ =	shalt  }
0x74: {  	_ =	shalt  }
0x75: {  	_ =	shalt  }
0x76: {  	_ =	shalt  }
0x77: {  	_ =	shalt  }
0x78: {  	_ =	shalt  }
0x79: {  	_ =	shalt  }
0x7a: {  	_ =	shalt  }
0x7b: {  	_ =	shalt  }
0x7c: {  	_ =	shalt  }
0x7d: {  	_ =	shalt  }
0x7e: {  	_ =	shalt  }
0x7f: {  	_ =	shalt  }
0x80: {  	_ =	shalt  }
0x81: {  	_ =	shalt  }
0x82: {  	_ =	shalt  }
0x83: {  	_ =	shalt  }
0x84: {  	_ =	shalt  }
0x85: {  	_ =	shalt  }
0x86: {  	_ =	shalt  }
0x87: {  	_ =	shalt  }
.Lfunc_end0:
.L_simem_size_0:
called_computation.2_lowered:
.L_overlay_start_0:
0x88: {  	s2 =	sld [smem:$0x3FD9]  }
0x89: {  	s3 =	sld [smem:$0x3FFE];
	_ =	sdelay $0x1  }
0x8a: {  	s1 =	srdreg.scid  }
0x8b: {  	s0 =	sand.u32 $0x1, s1  }
0x8c: {  	s16 =	sshll.u32 s0, $0xA;
	s2 =	sadd.s32 s3, s2  }
0x8d: {  	s2 =	sadd.s32 s2, s16  }
0x8e: {  	[smem:$0x3FC0] =	sst s2  }
0x8f: {  	_ = 	snop  }
0x90: {  	(tm) =	ssettm $0x1  }
0x91: {  	s17 =	sld [smem:$0x3FFB];
	_ =	sdelay $0x3  }
0x92: {  	_ =	strace s17  }
0x93: {  	s2 =	sld [smem:$0x3FFC];
	_ =	sdelay $0x3  }
0x94: {  	_ =	strace s2  }
0x95: {  	s2 =	sld [smem:$0x3FFD];
	_ =	sdelay $0x3  }
0x96: {  	_ =	strace s2  }
0x97: {  	_ =	strace $0x8FFFFFFF  }
0x98: {  	s18 =	sld [smem:$0x3FDB];
	_ =	sdelay $0x1  }
0x99: {  	s19 =	simm.s32 $_scs_section_size  }
0x9a: {  	s4 =	simm.s32 $_size__tile_overlayer_lowered;
	s5 =	simm.s32 $_tile_overlayer_lowered  }
0x9b: {  	s22 =	simm.s32 $0x1BFF;
	s21 =	sshll.u32 s5, $0x1;
	s2 =	sadd.s32 s19, s18  }
0x9c: {  	s6 =	simm.s32 $0x0;
	s20 =	sshll.u32 s4, $0x1;
	s4 =	sadd.s32 s21, s2  }
0x9d: {  	[timem:s6], [sflag:s22] =	dma.local [hbm:s4], s20  }
0x9e: {  	_ =	swait.ge [sflag:s22], s20  }
0x9f: {  	s3 =	ssub.s32 $0x0, s20;
	[sflag:s22] =	ssyncset.done $0x0  }
0xa0: {  	[sflag:s22] =	ssyncadd.s32 s3;
	_ =	sdelay $0x1  }
0xa1: {  	s23 =	simm.s32 $0x1B8B  }
0xa2: {  	_ =	swait.ge [sflag:s23], $0x1  }
0xa3: {  	[sflag:s23] =	ssyncset.done $0x0  }
0xa4: {  	s25 =	simm.s32 $0x1B8E;
	s24 =	sld [smem:$0x3FFE];
	[sflag:s23] =	ssyncadd.s32 $0xFFFFFFFF  }
0xa5: {  	s26 =	simm.s32 $execute0_lowered;
	[smem:$0x3FD2] =	sst s25  }
0xa6: {  	s4 =	sshll.u32 s26, $0x1;
	_ =	strace $0x8000004C;
	[dreg:$0x1] =	wrdreg $0xFFFFFFFF  }
0xa7: {  	s28 =	simm.s32 $_size_execute0_lowered;
	s2 =	sadd.s32 s2, s4;
	[dreg:$0x0] =	wrdreg $0x0  }
0xa8: {  	s4 =	sshll.u32 s28, $0x1;
	[dreg:$0x2] =	wrdreg s2  }
0xa9: {  	[dreg:$0x3] =	wrdreg s4  }
0xaa: {  	[dreg:$0x4] =	wrdreg $0xC0  }
0xab: {  	_ =	task [dreg:s6], $0x5FFFF  }
0xac: {  	[dreg:$0x1] =	wrdreg $0xFFFFFFFF  }
0xad: {  	[dreg:$0x0] =	wrdreg $0x60  }
0xae: {  	[dreg:$0x2] =	wrdreg s24  }
0xaf: {  	[dreg:$0x3] =	wrdreg $0xA0000  }
0xb0: {  	[dreg:$0x4] =	wrdreg $0x9  }
0xb1: {  	_ =	task.clear_ibuf [dreg:s6], $0x5FFFF;
	_ =	strace $0x9000004C  }
0xb2: {  	s29 =	simm.s32 $0x9;
	_ =	strace $0x8000004E  }
0xb3: {  	_ =	swait.ge [sflag:s29], $0x1  }
0xb4: {  	[sflag:s29] =	ssyncadd.s32 $0xFFFFFFFF  }
0xb5: {  	_ =	strace $0x9000004E  }
0xb6: {  	_ =	sfence  }
0xb7: {  	s30 =	sld [smem:$0x0];
	_ =	sdelay $0x2  }
0xb8: {  	s31 =	sshll.u32 s1, $0xD;
	s1 =	sshrl.u32 s1, $0x2  }
0xb9: {  	s3 =	sand.u32 $0x4000, s31;
	s1 =	sadd.s32 s1, s30  }
0xba: {  	s0 =	sor.u32 s3, s0;
	s1 =	sshll.u32 s1, $0x11  }
0xbb: {  	s0 =	sor.u32 s1, s0  }
0xbc: {  	s0 =	sadd.s32 $0x8F2B, s0  }
0xbd: {  	[sflag:s0] =	ssyncadd.remote.s32 $0x1  }
0xbe: {  	_ =	sfence.sel $0xFFFF  }
0xbf: {  	[dreg:$0x0] =	wrdreg $0xFFFFFFFF;
	(pc) =	sbr.abs _section_cstart, $3  }
0xc0: {  	[dreg:$0x1] =	wrdreg $0xFFFFFFFF  }
0xc1: {  	_ =	task.clear_ibuf [dreg:s6], $0x2FFFF;
	_ =	strace $0x9FFFFFFF  }
0xc2: {  	(tm) =	ssettm $0x7FFFFFFF  }
0xc3: {  	_ =	shalt  }
tec
execute0_lowered:
.L_overlay_start_1:
0x0: {  	(tag) =	ssettag $0x1  }
0x1: {  	s0 =	rddreg [dreg:$0x0]  }
0x2: {  	s2 =	rddreg [dreg:$0x1]  }
0x3: {  	s11 =	stileid.u32;
	s1 =	srdreg.scid;
	s3 =	simm.s32 $0x0  }
0x4: {  	s13 =	simm.s32 $0x5;
	s14 =	simm.s32 $0x1000;
	s15 =	simm.s32 $0x40  }
0x5: {  	s16 =	simm.s32 $0x2000;
	s17 =	simm.s32 $0x80;
	s18 =	simm.s32 $0x4000  }
0x6: {  	s19 =	simm.s32 $0x100;
	s20 =	simm.s32 $0x6000;
	s21 =	simm.s32 $0x180  }
0x7: {  	s22 =	simm.s32 $0x8000;
	s28 =	simm.s32 $0x1E00;
	s29 =	simm.s32 $0x1E80  }
0x8: {  	s30 =	simm.s32 $0x1F00;
	s31 =	simm.s32 $0x1F80;
	s7 =	smul.u32 $0x14000, s11  }
0x9: {  	s1 =	sand.u32 $0x1, s1;
	[smem:$0x7FF] =	sst s3;
	s4 =	sadd.s32 $0x20800, s0  }
0xa: {  	s5 =	sadd.s32 $0xC800, s0;
	s6 =	sadd.s32 $0x34800, s0;
	s10 =	smul.u32 $0x50000, s11  }
0xb: {  	s25 =	sshll.u32 s11, $0x1;
	s26 =	sshll.u32 s11, $0x6;
	s8 =	smul.u32 $0x140000, s1  }
0xc: {  	_ =	strace $0x8000004D;
	s23 =	ssub.s32 $0x2, s1;
	s1 =	sor.u32 s1, s25  }
0xd: {  	s25 =	simm.s32 $0x3;
	s9 =	sshrl.u32 s7, $0x3;
	s24 =	sshrl.u32 s23, $0x1  }
0xe: {  	s10 =	sshrl.u32 s10, $0x2;
	s7 =	sadd.s32 s7, s8;
	s9 =	sadd.s32 s9, s0  }
0xf: {  	s12 =	sadd.s32 s10, s2;
	s8 =	sor.u32 $0x1C05, s26;
	s26 =	simm.s32 $0x4  }
0x10: {  	s7 =	sshrl.u32 s7, $0x3;
	s9 =	sadd.s32 $0x5C800, s9;
	s12 =	sshrl.u32 s12, $0x3  }
0x11: {  	s0 =	sadd.s32 s7, s0;
	s7 =	ssub.s32 s23, s24;
	[dreg:$0x3] =	wrdreg s9  }
0x12: {  	s9 =	smul.u32 $0x5000, s1;
	s23 =	simm.s32 $0x1;
	s0 =	sadd.s32 $0x84800, s0  }
0x13: {  	s24 =	simm.s32 $0x2;
	s11 =	smax.u32 s7, $0x1;
	[dreg:$0x4] =	wrdreg s0  }
.LBB2_1:
0x14: {  	s0 =	rddreg [dreg:$0x3]  }
0x15: {  	[spmem:s12], [sflag:s8] =	dma.local [hbm:s0], $0x2800  }
0x16: {  	_ =	swait.ge [sflag:s13], $0x2800  }
0x17: {  	[sflag:s13] =	ssyncset.done $0x0  }
0x18: {  	[sflag:s13] =	ssyncadd.s32 $0xFFFFD800  }
0x19: {  	s0 =	simm.s32 $0x0;
	[bflag:$0x0] =	sbarrier.arrive $0xFFFF  }
.LBB2_2:
0x1a: {  	s1 =	sshll.u32 s0, $0xC  }
0x1b: {  	s1 =	sadd.s32 s9, s1  }
0x1c: {  	s1 =	sshrl.u32 s1, $0x3  }
0x1d: {  	s10 =	simm.s32 $0x0;
	s7 =	sadd.s32 s4, s1  }
0x1e: {  	[tilespmem:s10], [sflag:$0x5] =	stream.linear.gather [hbm4b:s7+s10], $0x1000, $0x38;
	[tilespmem:$0x1E000] =	vst v63  }
0x1f: {  	_ =	swait.ge [sflag:s13], $0x1000  }
0x20: {  	[sflag:s13] =	ssyncset.done $0x0  }
0x21: {  	s1 =	sadd.s32 s5, s1;
	[sflag:s13] =	ssyncadd.s32 $0xFFFFF000  }
0x22: {  	[tilespmem:s14], [sflag:$0x5] =	stream.linear.gather [hbm4b:s1+s10], $0x1000, $0x38;
	[tilespmem:$0x1E000] =	vst v63  }
0x23: {  	_ =	swait.ge [sflag:s13], $0x1000  }
0x24: {  	[sflag:s13] =	ssyncset.done $0x0  }
0x25: {  	[sflag:s13] =	ssyncadd.s32 $0xFFFFF000  }
0x26: {  	[tilespmem:s16], [sflag:$0x1] =	stream.indirect.gather [hbm4b:s6+s15], $0x80, s10, s15, $0xb8;
	[tilespmem:$0x1E000] =	vst v63  }
0x27: {  	_ = 	snop  }
0x28: {  	[tilespmem:s18], [sflag:$0x2] =	stream.indirect.gather [hbm4b:s6+s15], $0x80, s17, s15, $0xb8;
	[tilespmem:$0x1E000] =	vst v63  }
0x29: {  	_ = 	snop  }
0x2a: {  	[tilespmem:s20], [sflag:$0x3] =	stream.indirect.gather [hbm4b:s6+s15], $0x80, s19, s15, $0xb8;
	[tilespmem:$0x1E000] =	vst v63  }
0x2b: {  	_ = 	snop  }
0x2c: {  	[tilespmem:s22], [sflag:$0x4] =	stream.indirect.gather [hbm4b:s6+s15], $0x80, s21, s15, $0xb8;
	[tilespmem:$0x1E000] =	vst v63  }
0x2d: {  	_ =	swait.ge [sflag:s23], $0x2000  }
0x2e: {  	[sflag:s23] =	ssyncset.done $0x0  }
0x2f: {  	s10 =	simm.s32 $0x1000;
	[sflag:s23] =	ssyncadd.s32 $0xFFFFE000  }
0x30: {  	[spmem:s2] =	stream.indirect.scatter.add.f32 [tilespmem:s16], [sflag:$0x5], $0x80, s10, s15, $0xb8;
	[tilespmem:$0x1E000] =	vst v63  }
0x31: {  	_ =	swait.ge [sflag:s13], $0x2000  }
0x32: {  	[sflag:s13] =	ssyncset.done $0x0  }
0x33: {  	s7 =	simm.s32 $0x200;
	[sflag:s13] =	ssyncadd.s32 $0xFFFFE000  }
0x34: {  	[tilespmem:s16], [sflag:$0x1] =	stream.indirect.gather [hbm4b:s6+s15], $0x80, s7, s15, $0xb8;
	[tilespmem:$0x1E000] =	vst v63  }
0x35: {  	_ =	swait.ge [sflag:s24], $0x2000  }
0x36: {  	[sflag:s24] =	ssyncset.done $0x0  }
0x37: {  	s10 =	simm.s32 $0x1080;
	[sflag:s24] =	ssyncadd.s32 $0xFFFFE000  }
0x38: {  	[spmem:s2] =	stream.indirect.scatter.add.f32 [tilespmem:s18], [sflag:$0x5], $0x80, s10, s15, $0xb8;
	[tilespmem:$0x1E000] =	vst v63  }
0x39: {  	_ =	swait.ge [sflag:s13], $0x2000  }
0x3a: {  	[sflag:s13] =	ssyncset.done $0x0  }
0x3b: {  	s7 =	simm.s32 $0x280;
	[sflag:s13] =	ssyncadd.s32 $0xFFFFE000  }
0x3c: {  	[tilespmem:s18], [sflag:$0x2] =	stream.indirect.gather [hbm4b:s6+s15], $0x80, s7, s15, $0xb8;
	[tilespmem:$0x1E000] =	vst v63  }
0x3d: {  	_ =	swait.ge [sflag:s25], $0x2000  }
0x3e: {  	[sflag:s25] =	ssyncset.done $0x0  }
0x3f: {  	s10 =	simm.s32 $0x1100;
	[sflag:s25] =	ssyncadd.s32 $0xFFFFE000  }
0x40: {  	[spmem:s2] =	stream.indirect.scatter.add.f32 [tilespmem:s20], [sflag:$0x5], $0x80, s10, s15, $0xb8;
	[tilespmem:$0x1E000] =	vst v63  }
0x41: {  	_ =	swait.ge [sflag:s13], $0x2000  }
0x42: {  	[sflag:s13] =	ssyncset.done $0x0  }
0x43: {  	s7 =	simm.s32 $0x300;
	[sflag:s13] =	ssyncadd.s32 $0xFFFFE000  }
0x44: {  	[tilespmem:s20], [sflag:$0x3] =	stream.indirect.gather [hbm4b:s6+s15], $0x80, s7, s15, $0xb8;
	[tilespmem:$0x1E000] =	vst v63  }
0x45: {  	_ =	swait.ge [sflag:s26], $0x2000  }
0x46: {  	[sflag:s26] =	ssyncset.done $0x0  }
0x47: {  	s10 =	simm.s32 $0x1180;
	[sflag:s26] =	ssyncadd.s32 $0xFFFFE000  }
0x48: {  	[spmem:s2] =	stream.indirect.scatter.add.f32 [tilespmem:s22], [sflag:$0x5], $0x80, s10, s15, $0xb8;
	[tilespmem:$0x1E000] =	vst v63  }
0x49: {  	_ =	swait.ge [sflag:s13], $0x2000  }
0x4a: {  	[sflag:s13] =	ssyncset.done $0x0  }
0x4b: {  	s1 =	simm.s32 $0x800;
	s7 =	simm.s32 $0x380;
	[sflag:s13] =	ssyncadd.s32 $0xFFFFE000  }
.LBB2_3:
0x4c: {  	[tilespmem:s22], [sflag:$0x4] =	stream.indirect.gather [hbm4b:s6+s15], $0x80, s7, s15, $0xb8;
	[tilespmem:$0x1E000] =	vst v63  }
0x4d: {  	s7 =	smov.u32 s1  }
0x4e: {  	p0 =	sne.s32 s1, $0x3000;
	s1 =	sadd.s32 $0x800, s1;
	_ =	swait.ge [sflag:s23], $0x2000  }
0x4f: {  	s7 =	sshra.s32 s7, $0x2;
	[sflag:s23] =	ssyncset.done $0x0  }
0x50: {  	s10 =	sadd.s32 $0x1000, s7;
	[sflag:s23] =	ssyncadd.s32 $0xFFFFE000  }
0x51: {  	[spmem:s2] =	stream.indirect.scatter.add.f32 [tilespmem:s16], [sflag:$0x5], $0x80, s10, s15, $0xb8;
	[tilespmem:$0x1E000] =	vst v63  }
0x52: {  	_ =	swait.ge [sflag:s13], $0x2000  }
0x53: {  	[sflag:s13] =	ssyncset.done $0x0  }
0x54: {  	s10 =	sadd.s32 $0x200, s7;
	[sflag:s13] =	ssyncadd.s32 $0xFFFFE000  }
0x55: {  	[tilespmem:s16], [sflag:$0x1] =	stream.indirect.gather [hbm4b:s6+s15], $0x80, s10, s15, $0xb8;
	[tilespmem:$0x1E000] =	vst v63  }
0x56: {  	_ =	swait.ge [sflag:s24], $0x2000  }
0x57: {  	[sflag:s24] =	ssyncset.done $0x0  }
0x58: {  	s10 =	sadd.s32 $0x1080, s7;
	[sflag:s24] =	ssyncadd.s32 $0xFFFFE000  }
0x59: {  	[spmem:s2] =	stream.indirect.scatter.add.f32 [tilespmem:s18], [sflag:$0x5], $0x80, s10, s15, $0xb8;
	[tilespmem:$0x1E000] =	vst v63  }
0x5a: {  	_ =	swait.ge [sflag:s13], $0x2000  }
0x5b: {  	[sflag:s13] =	ssyncset.done $0x0  }
0x5c: {  	s10 =	sadd.s32 $0x280, s7;
	[sflag:s13] =	ssyncadd.s32 $0xFFFFE000  }
0x5d: {  	[tilespmem:s18], [sflag:$0x2] =	stream.indirect.gather [hbm4b:s6+s15], $0x80, s10, s15, $0xb8;
	[tilespmem:$0x1E000] =	vst v63  }
0x5e: {  	_ =	swait.ge [sflag:s25], $0x2000  }
0x5f: {  	[sflag:s25] =	ssyncset.done $0x0  }
0x60: {  	s10 =	sadd.s32 $0x1100, s7;
	[sflag:s25] =	ssyncadd.s32 $0xFFFFE000  }
0x61: {  	[spmem:s2] =	stream.indirect.scatter.add.f32 [tilespmem:s20], [sflag:$0x5], $0x80, s10, s15, $0xb8;
	[tilespmem:$0x1E000] =	vst v63  }
0x62: {  	_ =	swait.ge [sflag:s13], $0x2000  }
0x63: {  	[sflag:s13] =	ssyncset.done $0x0  }
0x64: {  	s10 =	sadd.s32 $0x300, s7;
	[sflag:s13] =	ssyncadd.s32 $0xFFFFE000  }
0x65: {  	[tilespmem:s20], [sflag:$0x3] =	stream.indirect.gather [hbm4b:s6+s15], $0x80, s10, s15, $0xb8;
	[tilespmem:$0x1E000] =	vst v63  }
0x66: {  	_ =	swait.ge [sflag:s26], $0x2000  }
0x67: {  	[sflag:s26] =	ssyncset.done $0x0  }
.Ltmp0:
0x68: {  	s10 =	sadd.s32 $0x1180, s7;
	[sflag:s26] =	ssyncadd.s32 $0xFFFFE000;
	(pc) =	sbr.rel @p0 .LBB2_3-.Ltmp0, $4  }
0x69: {  	[spmem:s2] =	stream.indirect.scatter.add.f32 [tilespmem:s22], [sflag:$0x5], $0x80, s10, s15, $0xb8;
	[tilespmem:$0x1E000] =	vst v63  }
0x6a: {  	_ =	swait.ge [sflag:s13], $0x2000  }
0x6b: {  	[sflag:s13] =	ssyncset.done $0x0  }
0x6c: {  	s7 =	sadd.s32 $0x380, s7;
	[sflag:s13] =	ssyncadd.s32 $0xFFFFE000  }
0x6d: {  	[tilespmem:s22], [sflag:$0x4] =	stream.indirect.gather [hbm4b:s6+s15], $0x80, s7, s15, $0xb8;
	[tilespmem:$0x1E000] =	vst v63  }
0x6e: {  	_ =	swait.ge [sflag:s23], $0x2000  }
0x6f: {  	[sflag:s23] =	ssyncset.done $0x0  }
0x70: {  	[sflag:s23] =	ssyncadd.s32 $0xFFFFE000  }
0x71: {  	[spmem:s2] =	stream.indirect.scatter.add.f32 [tilespmem:s16], [sflag:$0x5], $0x80, s28, s15, $0xb8;
	[tilespmem:$0x1E000] =	vst v63  }
0x72: {  	_ =	swait.ge [sflag:s13], $0x2000  }
0x73: {  	[sflag:s13] =	ssyncset.done $0x0  }
0x74: {  	[sflag:s13] =	ssyncadd.s32 $0xFFFFE000  }
0x75: {  	_ =	swait.ge [sflag:s24], $0x2000  }
0x76: {  	[sflag:s24] =	ssyncset.done $0x0  }
0x77: {  	[sflag:s24] =	ssyncadd.s32 $0xFFFFE000  }
0x78: {  	[spmem:s2] =	stream.indirect.scatter.add.f32 [tilespmem:s18], [sflag:$0x5], $0x80, s29, s15, $0xb8;
	[tilespmem:$0x1E000] =	vst v63  }
0x79: {  	_ =	swait.ge [sflag:s13], $0x2000  }
0x7a: {  	[sflag:s13] =	ssyncset.done $0x0  }
0x7b: {  	[sflag:s13] =	ssyncadd.s32 $0xFFFFE000  }
0x7c: {  	_ =	swait.ge [sflag:s25], $0x2000  }
0x7d: {  	[sflag:s25] =	ssyncset.done $0x0  }
0x7e: {  	[sflag:s25] =	ssyncadd.s32 $0xFFFFE000  }
0x7f: {  	[spmem:s2] =	stream.indirect.scatter.add.f32 [tilespmem:s20], [sflag:$0x5], $0x80, s30, s15, $0xb8;
	[tilespmem:$0x1E000] =	vst v63  }
0x80: {  	_ =	swait.ge [sflag:s13], $0x2000  }
0x81: {  	[sflag:s13] =	ssyncset.done $0x0  }
0x82: {  	[sflag:s13] =	ssyncadd.s32 $0xFFFFE000  }
0x83: {  	s0 =	sadd.s32 $0x1, s0;
	_ =	swait.ge [sflag:s26], $0x2000  }
0x84: {  	p0 =	sne.s32 s0, $0x5;
	[sflag:s26] =	ssyncset.done $0x0  }
.Ltmp1:
0x85: {  	[sflag:s26] =	ssyncadd.s32 $0xFFFFE000;
	(pc) =	sbr.rel @p0 .LBB2_2-.Ltmp1, $4  }
0x86: {  	[spmem:s2] =	stream.indirect.scatter.add.f32 [tilespmem:s22], [sflag:$0x5], $0x80, s31, s15, $0xb8;
	[tilespmem:$0x1E000] =	vst v63  }
0x87: {  	_ =	swait.ge [sflag:s13], $0x2000  }
0x88: {  	[sflag:s13] =	ssyncset.done $0x0  }
0x89: {  	[sflag:s13] =	ssyncadd.s32 $0xFFFFE000  }
0x8a: {  	s3 =	sadd.s32 $0x1, s3  }
0x8b: {  	[bflag:$0x0] =	sbarrier.arrive $0xFFFF;
	p0 =	sne.s32 s3, s11  }
.Ltmp2:
0x8c: {  	s0 =	rddreg [dreg:$0x4];
	(pc) =	sbr.rel @p0 .LBB2_1-.Ltmp2, $4  }
0x8d: {  	[hbm:s0], [sflag:s8] =	dma.local [spmem:s12], $0x2800  }
0x8e: {  	_ =	swait.ge [sflag:s13], $0x2800  }
0x8f: {  	[sflag:s13] =	ssyncset.done $0x0  }
0x90: {  	[sflag:s13] =	ssyncadd.s32 $0xFFFFD800  }
0x91: {  	_ =	sfence.sel $0x180000  }
0x92: {  	[bflag:$0x0] =	sbarrier.arrive $0xFFFF  }
0x93: {  	_ =	strace $0x9000004D  }
0x94: {  	s0 =	stileid.u32;
	[bflag:$0x2] =	sbarrier.arrive $0xFFFF  }
0x95: {  	p0 =	sne.s32 s0, $0x0;
	s0 =	rddreg [dreg:$0x2]  }
0x96: {  	s0 =	sadd.s32 @!p0 $0x100000, s0  }
0x97: {  	[sflag:s0] =	ssyncadd.tile.s32 @!p0 $0x1;
	_ =	shalt  }
.Lfunc_end2:
_tile_overlayer_lowered:
.L_overlay_start_2:
0x98: {  	(tag) =	ssettag $0x2  }
0x99: {  	s0 =	rddreg [dreg:$0x0];
	s2 =	stileid.u32  }
0x9a: {  	s1 =	rddreg [dreg:$0x1];
	p0 =	sne.s32 s2, $0x0  }
0x9b: {  	s3 =	rddreg [dreg:$0x2];
	[bflag:$0x3] =	sbarrier.arrive $0xFFFF;
	s2 =	simm.s32 @!p0 $0x1C05  }
0x9c: {  	[timem:s3], [sflag:s2] =	dma.local @!p0 [hbm:s0], s1  }
0x9d: {  	s0 =	simm.s32 @!p0 $0x5  }
0x9e: {  	_ =	swait.ge @!p0 [sflag:s0], s1  }
0x9f: {  	s1 =	ssub.s32 @!p0 $0x0, s1;
	[sflag:s0] =	ssyncset.done @!p0 $0x0  }
0xa0: {  	[sflag:s0] =	ssyncadd.s32 @!p0 s1  }
0xa1: {  	[bflag:$0x3] =	sbarrier.arrive $0xFFFF  }
0xa2: {  	_ =	shalt  }

// kernel: kernel.9.cloned.1.call-start
scs
__scs_entry_jumppad:
0x0: {  	(pc) =	sbr.rel $0x88, $3  }
0x1: {  	(tag) =	ssettag $0x0;
	lr =	simm.s32 $0x1  }
0x2: {  	[smem:$0x3F99] =	sst lr;
	_ =	strace $0xD0000000  }
0x3: {  	_ = 	snop  }
0x4: {  	_ = 	snop  }
0x5: {  	_ = 	snop  }
0x6: {  	_ = 	snop  }
0x7: {  	_ = 	snop  }
__scs_overlays_trampoline_lowered:
0x8: {  	[smem:$0x3FA8] =	sst s0  }
0x9: {  	[smem:$0x3FA9] =	sst s1  }
0xa: {  	[smem:$0x3FAA] =	sst s2  }
0xb: {  	[smem:$0x3FAB] =	sst s3  }
0xc: {  	[smem:$0x3FAC] =	sst s4  }
0xd: {  	[smem:$0x3FAD] =	sst s5  }
0xe: {  	[smem:$0x3FAE] =	sst s6  }
0xf: {  	[smem:$0x3FAF] =	sst s7  }
0x10: {  	[smem:$0x3FB0] =	sst s8  }
0x11: {  	[smem:$0x3FB1] =	sst s9;
	s0 =	simm.s32 @!p0 $0x0  }
0x12: {  	s1 =	sld [smem:$0x3F97];
	s0 =	simm.s32 @p0 $0x1  }
0x13: {  	[smem:$0x3FB2] =	sst s0;
	s0 =	simm.s32 @!p1 $0x0  }
0x14: {  	s2 =	sld [smem:$0x3F96];
	s0 =	simm.s32 @p1 $0x1  }
0x15: {  	[smem:$0x3FB3] =	sst s0;
	s0 =	simm.s32 @!p2 $0x0  }
0x16: {  	s3 =	sld [smem:$0x3FDB];
	s0 =	simm.s32 @p2 $0x1  }
0x17: {  	s4 =	simm.s32 $0x1BF5;
	[smem:$0x3FB5] =	sst s0  }
0x18: {  	s0 =	sld [smem:$0x3F98];
	_ =	swait.ge [sflag:s4], $0x0  }
0x19: {  	s7 =	sld [smem:$0x3F99]  }
0x1a: {  	s8 =	sadd.s32 $0xFFFFE003, lr  }
0x1b: {  	s9 =	sadd.s32 $0xFFFFFEF7, lr;
	s5 =	simm.s32 $0xFFFFFFFF;
	p2 =	slt.u32 s8, $0xFFFFF086  }
0x1c: {  	p1 =	slt.u32 s9, $0xF7A;
	s5 =	simm.s32 @!p2 $0x0  }
0x1d: {  	s5 =	simm.s32 @p1 $0x1;
	p0 =	seq.s32 s7, s2  }
0x1e: {  	s7 =	smul.u32 @!p0 $0xF7A, s2;
	p2 =	seq.s32 @!p0 s5, $0x0  }
0x1f: {  	s9 =	smul.u32 $0xF7A, s1;
	s8 =	simm.s32 @!p0 $0x1BF5;
	p2 =	por !p2, p0  }
0x20: {  	[sflag:s8] =	ssyncset.s32 @!p0 $0xFFFFF086;
	s6 =	sadd.s32 @!p0 s3, s7;
	s7 =	simm.s32 @!p0 $0x108  }
0x21: {  	s3 =	sadd.s32 s3, s9;
	s6 =	sadd.s32 @!p0 $0x88, s6;
	s7 =	simm.s32 @p2 $0x1082  }
0x22: {  	[simem:s7], [sflag:s8] =	dma.local @!p0 [hbm:s6], $0xF7A  }
0x23: {  	s9 =	sor.u32 $0xD0000000, s2;
	s6 =	simm.s32 $0x108;
	_ =	swait.ge @!p0 [sflag:s8], $0x0  }
0x24: {  	s3 =	sadd.s32 $0x88, s3;
	s6 =	simm.s32 @!p1 $0x1082;
	[sflag:s4] =	ssyncset.s32 $0xFFFFF086  }
0x25: {  	[simem:s6], [sflag:s4] =	dma.local [hbm:s3], $0xF7A  }
0x26: {  	[smem:$0x3F99] =	sst s1;
	(tag) =	ssettag s2;
	_ =	strace s9  }
0x27: {  	s1 =	sld [smem:$0x3FA9]  }
0x28: {  	s2 =	sld [smem:$0x3FAA]  }
0x29: {  	s4 =	sld [smem:$0x3FAC]  }
0x2a: {  	p0 =	seq.s32 s5, $0x0;
	s5 =	sld [smem:$0x3FAD]  }
0x2b: {  	s6 =	sld [smem:$0x3FAE]  }
0x2c: {  	s7 =	sld [smem:$0x3FAF]  }
0x2d: {  	s3 =	simm.s32 $0x108;
	s8 =	sld [smem:$0x3FB0]  }
0x2e: {  	s3 =	simm.s32 @!p0 $0x1082;
	s9 =	sld [smem:$0x3FB1]  }
0x2f: {  	lr =	sadd.s32 s0, s3;
	s0 =	sld [smem:$0x3FA8]  }
0x30: {  	s3 =	sld [smem:$0x3FAB]  }
0x31: {  	[smem:$0x3FB4] =	sst s10  }
0x32: {  	s10 =	sld [smem:$0x3FB2];
	_ =	sdelay $0x3  }
0x33: {  	p0 =	seq.s32 s10, $0x1;
	s10 =	sld [smem:$0x3FB4];
	_ =	sdelay $0x3  }
0x34: {  	[smem:$0x3FB4] =	sst s10  }
0x35: {  	s10 =	sld [smem:$0x3FB3];
	_ =	sdelay $0x3  }
0x36: {  	p1 =	seq.s32 s10, $0x1;
	s10 =	sld [smem:$0x3FB4];
	_ =	sdelay $0x3  }
0x37: {  	[smem:$0x3FB4] =	sst s10  }
0x38: {  	s10 =	sld [smem:$0x3FB5]  }
0x39: {  	_ = 	snop;
	(pc) =	sbr.ind lr, $3  }
0x3a: {  	_ = 	snop  }
0x3b: {  	_ = 	snop  }
0x3c: {  	p2 =	seq.s32 s10, $0x1;
	s10 =	sld [smem:$0x3FB4]  }
0x3d: {  	_ =	shalt  }
0x3e: {  	_ =	shalt  }
0x3f: {  	_ =	shalt  }
0x40: {  	_ =	shalt  }
0x41: {  	_ =	shalt  }
0x42: {  	_ =	shalt  }
0x43: {  	_ =	shalt  }
0x44: {  	_ =	shalt  }
0x45: {  	_ =	shalt  }
0x46: {  	_ =	shalt  }
0x47: {  	_ =	shalt  }
0x48: {  	_ =	shalt  }
0x49: {  	_ =	shalt  }
0x4a: {  	_ =	shalt  }
0x4b: {  	_ =	shalt  }
0x4c: {  	_ =	shalt  }
0x4d: {  	_ =	shalt  }
0x4e: {  	_ =	shalt  }
0x4f: {  	_ =	shalt  }
0x50: {  	_ =	shalt  }
0x51: {  	_ =	shalt  }
0x52: {  	_ =	shalt  }
0x53: {  	_ =	shalt  }
0x54: {  	_ =	shalt  }
0x55: {  	_ =	shalt  }
0x56: {  	_ =	shalt  }
0x57: {  	_ =	shalt  }
0x58: {  	_ =	shalt  }
0x59: {  	_ =	shalt  }
0x5a: {  	_ =	shalt  }
0x5b: {  	_ =	shalt  }
0x5c: {  	_ =	shalt  }
0x5d: {  	_ =	shalt  }
0x5e: {  	_ =	shalt  }
0x5f: {  	_ =	shalt  }
0x60: {  	_ =	shalt  }
0x61: {  	_ =	shalt  }
0x62: {  	_ =	shalt  }
0x63: {  	_ =	shalt  }
0x64: {  	_ =	shalt  }
0x65: {  	_ =	shalt  }
0x66: {  	_ =	shalt  }
0x67: {  	_ =	shalt  }
0x68: {  	_ =	shalt  }
0x69: {  	_ =	shalt  }
0x6a: {  	_ =	shalt  }
0x6b: {  	_ =	shalt  }
0x6c: {  	_ =	shalt  }
0x6d: {  	_ =	shalt  }
0x6e: {  	_ =	shalt  }
0x6f: {  	_ =	shalt  }
0x70: {  	_ =	shalt  }
0x71: {  	_ =	shalt  }
0x72: {  	_ =	shalt  }
0x73: {  	_ =	shalt  }
0x74: {  	_ =	shalt  }
0x75: {  	_ =	shalt  }
0x76: {  	_ =	shalt  }
0x77: {  	_ =	shalt  }
0x78: {  	_ =	shalt  }
0x79: {  	_ =	shalt  }
0x7a: {  	_ =	shalt  }
0x7b: {  	_ =	shalt  }
0x7c: {  	_ =	shalt  }
0x7d: {  	_ =	shalt  }
0x7e: {  	_ =	shalt  }
0x7f: {  	_ =	shalt  }
0x80: {  	_ =	shalt  }
0x81: {  	_ =	shalt  }
0x82: {  	_ =	shalt  }
0x83: {  	_ =	shalt  }
0x84: {  	_ =	shalt  }
0x85: {  	_ =	shalt  }
0x86: {  	_ =	shalt  }
0x87: {  	_ =	shalt  }
.Lfunc_end0:
.L_simem_size_0:
called_computation_lowered:
.L_overlay_start_0:
0x88: {  	s2 =	sld [smem:$0x3FD9]  }
0x89: {  	s3 =	sld [smem:$0x3FFE];
	_ =	sdelay $0x1  }
0x8a: {  	s1 =	srdreg.scid  }
0x8b: {  	s0 =	sand.u32 $0x1, s1  }
0x8c: {  	s17 =	sshll.u32 s0, $0xA;
	s2 =	sadd.s32 s3, s2  }
0x8d: {  	s2 =	sadd.s32 s2, s17  }
0x8e: {  	[smem:$0x3FC0] =	sst s2  }
0x8f: {  	_ = 	snop  }
0x90: {  	s2 =	sld [smem:$0x3FD0];
	(tm) =	ssettm $0x1  }
0x91: {  	s18 =	sld [smem:$0x3FFB];
	_ =	sdelay $0x3  }
0x92: {  	_ =	strace s18  }
0x93: {  	s3 =	sld [smem:$0x3FFC];
	_ =	sdelay $0x3  }
0x94: {  	_ =	strace s3  }
0x95: {  	s3 =	sld [smem:$0x3FFD];
	_ =	sdelay $0x3  }
0x96: {  	_ =	strace s3  }
0x97: {  	_ =	strace $0x8FFFFFFF  }
0x98: {  	s19 =	sld [smem:$0x3FDB];
	_ =	sdelay $0x1  }
0x99: {  	s4 =	simm.s32 $_scs_section_size  }
0x9a: {  	s5 =	simm.s32 $_size__tile_overlayer_lowered;
	s6 =	simm.s32 $_tile_overlayer_lowered  }
0x9b: {  	s22 =	simm.s32 $0x1BFF;
	s21 =	sshll.u32 s6, $0x1;
	s3 =	sadd.s32 s4, s19  }
0x9c: {  	s7 =	simm.s32 $0x0;
	s20 =	sshll.u32 s5, $0x1;
	s5 =	sadd.s32 s21, s3  }
0x9d: {  	[timem:s7], [sflag:s22] =	dma.local [hbm:s5], s20  }
0x9e: {  	_ =	swait.ge [sflag:s22], s20  }
0x9f: {  	s4 =	ssub.s32 $0x0, s20;
	[sflag:s22] =	ssyncset.done $0x0  }
0xa0: {  	[sflag:s22] =	ssyncadd.s32 s4;
	_ =	sdelay $0x1  }
0xa1: {  	s23 =	simm.s32 $0x1B8B  }
0xa2: {  	_ =	swait.ge [sflag:s23], $0x1  }
0xa3: {  	[sflag:s23] =	ssyncset.done $0x0  }
0xa4: {  	s25 =	simm.s32 $0x1B8E;
	s24 =	sld [smem:$0x3FFE];
	[sflag:s23] =	ssyncadd.s32 $0xFFFFFFFF  }
0xa5: {  	s26 =	simm.s32 $execute0_lowered;
	[smem:$0x3FD2] =	sst s25  }
0xa6: {  	s5 =	sshll.u32 s26, $0x1;
	_ =	strace $0x80000046;
	[dreg:$0x1] =	wrdreg $0xFFFFFFFF  }
0xa7: {  	s28 =	simm.s32 $_size_execute0_lowered;
	s3 =	sadd.s32 s3, s5;
	[dreg:$0x0] =	wrdreg $0x0  }
0xa8: {  	s5 =	sshll.u32 s28, $0x1;
	[dreg:$0x2] =	wrdreg s3  }
0xa9: {  	[dreg:$0x3] =	wrdreg s5  }
0xaa: {  	[dreg:$0x4] =	wrdreg $0xC0  }
0xab: {  	_ =	task [dreg:s7], $0x5FFFF  }
0xac: {  	[dreg:$0x1] =	wrdreg $0xFFFFFFFF  }
0xad: {  	[dreg:$0x0] =	wrdreg $0x60  }
0xae: {  	[dreg:$0x2] =	wrdreg s24  }
0xaf: {  	[dreg:$0x3] =	wrdreg s2  }
0xb0: {  	[dreg:$0x4] =	wrdreg $0x28800  }
0xb1: {  	[dreg:$0x5] =	wrdreg $0x9  }
0xb2: {  	_ =	task.clear_ibuf [dreg:s7], $0x6FFFF;
	_ =	strace $0x90000046  }
0xb3: {  	s29 =	simm.s32 $0x9;
	_ =	strace $0x80000048  }
0xb4: {  	_ =	swait.ge [sflag:s29], $0x1  }
0xb5: {  	[sflag:s29] =	ssyncadd.s32 $0xFFFFFFFF  }
0xb6: {  	_ =	strace $0x90000048  }
0xb7: {  	_ =	sfence  }
0xb8: {  	s30 =	sld [smem:$0x0];
	_ =	sdelay $0x2  }
0xb9: {  	s31 =	sshll.u32 s1, $0xD;
	s1 =	sshrl.u32 s1, $0x2  }
0xba: {  	s3 =	sand.u32 $0x4000, s31;
	s1 =	sadd.s32 s1, s30  }
0xbb: {  	s0 =	sor.u32 s3, s0;
	s1 =	sshll.u32 s1, $0x11  }
0xbc: {  	s0 =	sor.u32 s1, s0  }
0xbd: {  	s0 =	sadd.s32 $0x8F2B, s0  }
0xbe: {  	[sflag:s0] =	ssyncadd.remote.s32 $0x1  }
0xbf: {  	_ =	sfence.sel $0xFFFF  }
0xc0: {  	[dreg:$0x0] =	wrdreg $0xFFFFFFFF;
	(pc) =	sbr.abs _section_cstart, $3  }
0xc1: {  	[dreg:$0x1] =	wrdreg $0xFFFFFFFF  }
0xc2: {  	_ =	task.clear_ibuf [dreg:s7], $0x2FFFF;
	_ =	strace $0x9FFFFFFF  }
0xc3: {  	(tm) =	ssettm $0x7FFFFFFF  }
tec
execute0_lowered:
.L_overlay_start_1:
0x0: {  	(tag) =	ssettag $0x1  }
0x1: {  	s5 =	rddreg [dreg:$0x0]  }
0x2: {  	s1 =	srdreg.scid;
	s2 =	rddreg [dreg:$0x1]  }
0x3: {  	s0 =	stileid.u32;
	s3 =	rddreg [dreg:$0x2];
	s4 =	simm.s32 $0x0  }
0x4: {  	s13 =	simm.s32 $0x80;
	s14 =	simm.s32 $0x20;
	s15 =	simm.s32 $0x10  }
0x5: {  	s16 =	simm.s32 $0x0;
	s6 =	sand.u32 $0x1, s1;
	s8 =	smul.u32 $0x500, s0  }
0x6: {  	s28 =	sshll.u32 s0, $0x1;
	[smem:$0x7FF] =	sst s4;
	s9 =	smul.u32 $0x280, s0  }
0x7: {  	s31 =	sshll.u32 s0, $0x6;
	s1 =	sor.u32 s6, s28;
	s10 =	sshll.u32 s6, $0x7  }
0x8: {  	s6 =	ssub.s32 $0x2, s6;
	s7 =	smul.u32 $0x500, s1;
	s1 =	rddreg [dreg:$0x3]  }
0x9: {  	_ =	strace $0x80000047;
	s8 =	sor.u32 s10, s8;
	s29 =	sshrl.u32 s9, $0x3  }
0xa: {  	s30 =	sshrl.u32 s6, $0x1;
	s12 =	sadd.s32 s9, s3;
	s9 =	simm.s32 $0x1  }
0xb: {  	s8 =	sshrl.u32 s8, $0x3;
	s10 =	sadd.s32 s29, s5;
	s11 =	ssub.s32 s6, s30  }
0xc: {  	s12 =	sshrl.u32 s12, $0x3;
	s7 =	sadd.s32 s7, s5;
	s8 =	sadd.s32 s8, s5  }
0xd: {  	s6 =	sadd.s32 $0xB800, s10;
	s10 =	simm.s32 $0x2800;
	s5 =	sadd.s32 $0x1800, s7  }
0xe: {  	s7 =	sadd.s32 $0xBE00, s8;
	s8 =	smax.u32 s11, $0x1;
	s11 =	sor.u32 $0x1C01, s31  }
.LBB2_1:
0xf: {  	[tilespmem:s4], [sflag:$0x1] =	stream.linear.gather [hbm4b:s5+s4], $0x2800, $0x38;
	[tilespmem:$0x2B00] =	vst v63  }
0x10: {  	_ =	swait.ge [sflag:s9], $0x2800  }
0x11: {  	[sflag:s9] =	ssyncset.done $0x0  }
0x12: {  	[sflag:s9] =	ssyncadd.s32 $0xFFFFD800  }
0x13: {  	[tilespmem:s10], [sflag:$0x1] =	stream.linear.gather [hbm4b:s2+s4], $0x80, $0x38;
	[tilespmem:$0x2B00] =	vst v63  }
0x14: {  	_ =	swait.ge [sflag:s9], $0x80  }
0x15: {  	[sflag:s9] =	ssyncset.done $0x0  }
0x16: {  	[sflag:s9] =	ssyncadd.s32 $0xFFFFFF80  }
0x17: {  	[spmem:s12], [sflag:s11] =	dma.local [hbm:s6], $0x50  }
0x18: {  	_ =	swait.ge [sflag:s9], $0x50  }
0x19: {  	[sflag:s9] =	ssyncset.done $0x0  }
0x1a: {  	[sflag:s9] =	ssyncadd.s32 $0xFFFFFFB0  }
0x1b: {  	s17 =	simm.s32 $0x0;
	[bflag:$0x0] =	sbarrier.arrive $0xFFFF  }
0x1c: {  	[spmem:s3] =	stream.indirect.scatter.add.f32 [tilespmem:s10], [sflag:$0x1], $0x1, s17, s13, $0xb8;
	[tilespmem:$0x2B00] =	vst v63  }
0x1d: {  	_ =	swait.ge [sflag:s9], $0x80  }
0x1e: {  	s17 =	simm.s32 $0x200;
	[sflag:s9] =	ssyncset.done $0x0  }
.LBB2_2:
0x1f: {  	s18 =	sshra.s32 s17, $0x2;
	[sflag:s9] =	ssyncadd.s32 $0xFFFFFF80;
	p0 =	sne.s32 s17, $0x9E00  }
0x20: {  	[spmem:s3] =	stream.indirect.scatter.add.f32 [tilespmem:s10], [sflag:$0x1], $0x1, s18, s13, $0xb8;
	[tilespmem:$0x2B00] =	vst v63  }
.Ltmp0:
0x21: {  	_ = 	snop;
	(pc) =	sbr.rel @p0 .LBB2_2-.Ltmp0, $4  }
0x22: {  	_ = 	snop  }
0x23: {  	s17 =	sadd.s32 $0x200, s17  }
0x24: {  	_ =	swait.ge [sflag:s9], $0x80  }
0x25: {  	[sflag:s9] =	ssyncset.done $0x0  }
0x26: {  	s16 =	sadd.s32 $0x1, s16  }
0x27: {  	[sflag:s9] =	ssyncadd.s32 $0xFFFFFF80;
	p0 =	sne.s32 s16, s8  }
.Ltmp1:
0x28: {  	[bflag:$0x0] =	sbarrier.arrive $0xFFFF;
	(pc) =	sbr.rel @p0 .LBB2_1-.Ltmp1, $4  }
0x29: {  	[hbm:s7@s14], [sflag:s11] =	dma.strided [spmem:s12@s15], $0x50, s9, $0x10   }
0x2a: {  	_ =	swait.ge [sflag:s9], $0x50  }
0x2b: {  	[sflag:s9] =	ssyncset.done $0x0  }
0x2c: {  	[sflag:s9] =	ssyncadd.s32 $0xFFFFFFB0  }
0x2d: {  	_ =	sfence.sel $0x180000  }
0x2e: {  	[bflag:$0x0] =	sbarrier.arrive $0xFFFF  }
0x2f: {  	p0 =	sne.s32 s0, $0x0;
	_ =	strace $0x90000047  }
0x30: {  	s0 =	sadd.s32 @!p0 $0x100000, s1;
	[bflag:$0x2] =	sbarrier.arrive $0xFFFF  }
0x31: {  	[sflag:s0] =	ssyncadd.tile.s32 @!p0 $0x1;
	_ =	shalt  }
.Lfunc_end2:
_tile_overlayer_lowered:
.L_overlay_start_2:
0x32: {  	(tag) =	ssettag $0x2  }
0x33: {  	s0 =	rddreg [dreg:$0x0];
	s2 =	stileid.u32  }
0x34: {  	s1 =	rddreg [dreg:$0x1];
	p0 =	sne.s32 s2, $0x0  }
0x35: {  	s3 =	rddreg [dreg:$0x2];
	[bflag:$0x3] =	sbarrier.arrive $0xFFFF;
	s2 =	simm.s32 @!p0 $0x1C01  }
0x36: {  	[timem:s3], [sflag:s2] =	dma.local @!p0 [hbm:s0], s1  }
0x37: {  	s0 =	simm.s32 @!p0 $0x1  }
0x38: {  	_ =	swait.ge @!p0 [sflag:s0], s1  }
0x39: {  	s1 =	ssub.s32 @!p0 $0x0, s1;
	[sflag:s0] =	ssyncset.done @!p0 $0x0  }
0x3a: {  	[sflag:s0] =	ssyncadd.s32 @!p0 s1  }
0x3b: {  	[bflag:$0x3] =	sbarrier.arrive $0xFFFF  }
0x3c: {  	_ =	shalt  }

</sc_bundles>
